<compile_context>
chip_gen: v7x
topology: tpu7x:2x2x1
jax: 0.10.2.dev20260603
libtpu: 0.0.44.dev20260713+nightly
codegen_flags: <defaults>
</compile_context>

<pallas_src>
import jax
import jax.numpy as jnp
from jax import lax
from jax.experimental import pallas as pl
from jax.experimental.pallas import tpu as pltpu
from jax.experimental.pallas import tpu_sc as plsc

B = 4096
D = 384
MOM = 0.9

NC = 2
NS = 16
NW = NC * NS
N_EL = B // NW
CH = 128
LANES = 16


def _sc_gather_phase(l_hbm, ci_hbm, cs_hbm, cir_o, csr_o,
                     l2d, gbuf0, gbuf1, sem0, sem1):
    wid = lax.axis_index("s") * NC + lax.axis_index("c")
    base = wid * N_EL

    pltpu.sync_copy(l_hbm.at[pl.ds(base, CH)], l2d.at[0])

    cp0 = pltpu.async_copy(ci_hbm.at[l2d.at[0]], gbuf0, sem0)
    cp1 = pltpu.async_copy(cs_hbm.at[l2d.at[0]], gbuf1, sem1)
    cp0.wait()
    pltpu.sync_copy(gbuf0, cir_o.at[pl.ds(base, CH)])
    cp1.wait()
    pltpu.sync_copy(gbuf1, csr_o.at[pl.ds(base, CH)])


def _sc_call(l, ci, cs):
    mesh = plsc.VectorSubcoreMesh(core_axis_name="c", subcore_axis_name="s",
                                  num_cores=NC)
    fn = pl.kernel(
        _sc_gather_phase,
        out_type=(
            jax.ShapeDtypeStruct((B, D), jnp.float32),
            jax.ShapeDtypeStruct((B, D), jnp.float32),
        ),
        mesh=mesh,
        scratch_types=[
            pltpu.VMEM((1, CH), jnp.int32),
            pltpu.VMEM((CH, D), jnp.float32),
            pltpu.VMEM((CH, D), jnp.float32),
            pltpu.SemaphoreType.DMA,
            pltpu.SemaphoreType.DMA,
        ],
    )
    return fn(l, ci, cs)


RB = 2048
NBLK = B // RB
RBA = 4096
NBLKA = B // RBA


DA = D + 1


def _tc_a_phase(lrows_ref, lrow_ref, x_ref, aug_ref, xa_s):
    blk = pl.program_id(0)

    @pl.when(blk == 0)
    def _():
        xa_s[:, :D] = x_ref[...].astype(jnp.bfloat16)
        xa_s[:, D:DA] = jnp.ones((B, 1), jnp.bfloat16)

    lc = jnp.transpose(lrows_ref[0], (1, 0))
    lr = lrow_ref[...]
    mm = lc == lr
    acc_aug = jax.lax.dot_general(
        mm.astype(jnp.bfloat16), xa_s[...],
        (((1,), (0,)), ((), ())), preferred_element_type=jnp.float32)
    acc = acc_aug[:, :D]
    cnt = acc_aug[:, D:D + 1]
    inv = 1.0 / jnp.maximum(cnt, 1.0)
    mean = acc * inv
    aug_ref[...] = jnp.concatenate([mean, inv], axis=1).astype(jnp.bfloat16)


def _tc_a_call(l, x):
    return pl.pallas_call(
        _tc_a_phase,
        grid=(NBLKA,),
        in_specs=[
            pl.BlockSpec((1, 1, RBA), lambda i: (i, 0, 0)),
            pl.BlockSpec((1, B), lambda i: (0, 0)),
            pl.BlockSpec((B, D), lambda i: (0, 0)),
        ],
        out_specs=pl.BlockSpec((RBA, DA), lambda i: (i, 0)),
        out_shape=jax.ShapeDtypeStruct((B, DA), jnp.bfloat16),
        scratch_shapes=[pltpu.VMEM((B, DA), jnp.bfloat16)],
    )(l.reshape(NBLKA, 1, RBA), l.reshape(1, B), x)


def _tc_b_phase(aug_ref, ci_ref, cs_ref, out_ref, sums):
    blk = pl.program_id(0)

    @pl.when(blk == 0)
    def _():
        sums[0] = 0.0
        sums[1] = 0.0

    aug = aug_ref[...].astype(jnp.float32)
    mean = aug[:, :D]
    inv = aug[:, D:D + 1]
    upd = ci_ref[...] * MOM + mean * (1.0 - MOM)
    n2 = jnp.sum(upd * upd, axis=1, keepdims=True)
    uh = upd * jnp.where(n2 > 0, lax.rsqrt(n2), 1.0)
    diff = uh - cs_ref[...]
    d2 = jnp.sum(diff * diff, axis=1, keepdims=True)
    sums[0] += jnp.sum(d2 * inv)
    sums[1] += jnp.sum(inv)

    @pl.when(blk == NBLK - 1)
    def _():
        out_ref[...] = (sums[0] / jnp.maximum(sums[1], 1.0)).reshape(1, 1)


def _tc_b_call(aug, cir, csr):
    return pl.pallas_call(
        _tc_b_phase,
        grid=(NBLK,),
        in_specs=[
            pl.BlockSpec((RB, DA), lambda i: (i, 0)),
            pl.BlockSpec((RB, D), lambda i: (i, 0)),
            pl.BlockSpec((RB, D), lambda i: (i, 0)),
        ],
        out_specs=pl.BlockSpec((1, 1), lambda i: (0, 0)),
        out_shape=jax.ShapeDtypeStruct((1, 1), jnp.float32),
        scratch_shapes=[pltpu.SMEM((2,), jnp.float32)],
    )(aug, cir, csr)


def kernel(x, l, center_img, center_skt):
    cir, csr = _sc_call(l, center_img, center_skt)
    aug = _tc_a_call(l, x)
    loss = _tc_b_call(aug, cir, csr)
    return loss.reshape(())

# --- scband reference (transcript-rebuilt; emitter-appended) ---
"""Pipeline reference for scband-prototype-78572131713219 (READ-ONLY COPY).

The authoritative reference and input builder live on the scoring server;
editing this copy changes nothing except your own understanding.
"""

import jax, jax.numpy as jnp
import numpy as np

NUM_CLASSES = 100000
DIM = 384
BATCH = 4096
MOMENTUM = 0.9


def _l2norm(t):
    n = jnp.linalg.norm(t, axis=1, keepdims=True)
    return t / jnp.where(n > 0, n, 1.0)


def setup_inputs(seed: int = 0):
    key = jax.random.key(seed)
    k1, k2, k3, k4 = jax.random.split(key, 4)
    x = jax.random.normal(k1, (BATCH, DIM), dtype=jnp.float32)
    l = jax.random.randint(k2, (BATCH,), 0, NUM_CLASSES, dtype=jnp.int32)
    center_img = _l2norm(jax.random.normal(k3, (NUM_CLASSES, DIM), dtype=jnp.float32))
    center_skt = _l2norm(jax.random.normal(k4, (NUM_CLASSES, DIM), dtype=jnp.float32))
    return {"x": x, "l": l, "center_img": center_img, "center_skt": center_skt}


def reference(x, l, center_img, center_skt):
    # modality='img' path of Prototype.forward
    ci = jax.lax.stop_gradient(center_img)  # torch: .detach()
    cs = jax.lax.stop_gradient(center_skt)  # torch: .detach()
    # scatter-add per-class sums and counts (replaces torch.unique + python loop)
    ones = jnp.ones((x.shape[0],), dtype=jnp.float32)
    counts = jax.ops.segment_sum(ones, l, num_segments=NUM_CLASSES)
    sums = jax.ops.segment_sum(x, l, num_segments=NUM_CLASSES)
    present = counts > 0  # mask of classes_in_batch
    center_tmp = sums / jnp.where(present, counts, 1.0)[:, None]
    # EMA update of present rows, then row-normalize
    upd = ci * MOMENTUM + center_tmp * (1.0 - MOMENTUM)
    nrm = jnp.linalg.norm(upd, axis=1, keepdims=True)
    upd = upd / jnp.where(nrm > 0, nrm, 1.0)
    new_ci = jnp.where(present[:, None], upd, ci)
    # align_loss over classes_in_batch: mean of ||ci - cs||^2
    diff = new_ci - cs
    dist2 = jnp.sum(diff * diff, axis=1)
    n_present = jnp.maximum(jnp.sum(present.astype(jnp.float32)), 1.0)
    loss = jnp.sum(jnp.where(present, dist2, 0.0)) / n_present
    return loss

if __name__ == "__main__":
    import jax
    _d = setup_inputs()
    print(jax.jit(kernel)(*tuple(_d.values())))

</pallas_src>

<mosaic_0001>
#map = affine_map<(d0, d1) -> (0)>
#map1 = affine_map<(d0, d1) -> (0, 0)>
module attributes {stable_mosaic.version = 14 : i64} {
  func.func @_sc_gather_phase(%arg0: i32, %arg1: i32, %arg2: memref<4096xi32, #tpu.memory_space<hbm>>, %arg3: memref<100000x384xf32, #tpu.memory_space<hbm>>, %arg4: memref<100000x384xf32, #tpu.memory_space<hbm>>, %arg5: memref<4096x384xf32, #tpu.memory_space<hbm>>, %arg6: memref<4096x384xf32, #tpu.memory_space<hbm>>, %arg7: memref<1x128xi32, #tpu.memory_space<vmem>>, %arg8: memref<128x384xf32, #tpu.memory_space<vmem>>, %arg9: memref<128x384xf32, #tpu.memory_space<vmem>>, %arg10: memref<!tpu.dma_semaphore, #tpu.memory_space<semaphore_mem>>, %arg11: memref<!tpu.dma_semaphore, #tpu.memory_space<semaphore_mem>>) attributes {dimension_semantics = [#tpu.dimension_semantics<core_parallel>, #tpu.dimension_semantics<subcore_parallel>], iteration_bounds = array<i64: 2, 16>, scalar_prefetch = 0 : i64, scratch_operands = 5 : i64, tpu.core_type = #tpu.core_type<sc_vector_subcore>, window_params = [{transform_indices = #map}, {transform_indices = #map1}, {transform_indices = #map1}, {transform_indices = #map1}, {transform_indices = #map1}]} {
    %mul3A = arith.constant 2 : i32
    %mul3A_0 = arith.muli %arg1, %mul3A : i32
    %add3A = arith.addi %mul3A_0, %arg0 : i32
    %mul3A_1 = arith.constant 128 : i32
    %mul3A_2 = arith.muli %add3A, %mul3A_1 : i32
    %run_scoped3A = arith.constant 0 : i32
    "tpu.region"() ({
      %run_scoped3A_29 = tpu.sem_alloc : memref<!tpu.dma_semaphore, #tpu.memory_space<semaphore_mem>>
      %dma_start3A_30 = arith.constant 0 : i32
      %dma_start3A_31 = tpu.memref_slice %arg7[%run_scoped3A, %dma_start3A_30] : memref<1x128xi32, #tpu.memory_space<vmem>> -> memref<1x128xi32, #tpu.memory_space<vmem>>
      %dma_start3A_32 = tpu.memref_squeeze %dma_start3A_31 : memref<1x128xi32, #tpu.memory_space<vmem>> -> memref<128xi32, #tpu.memory_space<vmem>>
      %dma_start3A_33 = tpu.memref_slice %arg2[%mul3A_2] : memref<4096xi32, #tpu.memory_space<hbm>> -> memref<128xi32, #tpu.memory_space<hbm>>
      %dma_start3A_34 = arith.constant 0 : i32
      %dma_start3A_35 = tpu.memref_slice %arg7[%run_scoped3A, %dma_start3A_34] : memref<1x128xi32, #tpu.memory_space<vmem>> -> memref<1x128xi32, #tpu.memory_space<vmem>>
      %dma_start3A_36 = tpu.memref_squeeze %dma_start3A_35 : memref<1x128xi32, #tpu.memory_space<vmem>> -> memref<128xi32, #tpu.memory_space<vmem>>
      %dma_start3A_37 = tpu.memref_slice %arg2[%mul3A_2] : memref<4096xi32, #tpu.memory_space<hbm>> -> memref<128xi32, #tpu.memory_space<hbm>>
      tpu.enqueue_dma source(%dma_start3A_37 : memref<128xi32, #tpu.memory_space<hbm>>) target(%dma_start3A_36 : memref<128xi32, #tpu.memory_space<vmem>>) target_semaphore(%run_scoped3A_29 : memref<!tpu.dma_semaphore, #tpu.memory_space<semaphore_mem>>)
      %dma_wait3A_38 = arith.constant 0 : i32
      %dma_wait3A_39 = tpu.memref_slice %arg7[%run_scoped3A, %dma_wait3A_38] : memref<1x128xi32, #tpu.memory_space<vmem>> -> memref<1x128xi32, #tpu.memory_space<vmem>>
      %dma_wait3A_40 = tpu.memref_squeeze %dma_wait3A_39 : memref<1x128xi32, #tpu.memory_space<vmem>> -> memref<128xi32, #tpu.memory_space<vmem>>
      %dma_wait3A_41 = tpu.memref_slice %arg2[%mul3A_2] : memref<4096xi32, #tpu.memory_space<hbm>> -> memref<128xi32, #tpu.memory_space<hbm>>
      %dma_wait3A_42 = arith.constant 0 : i32
      %dma_wait3A_43 = tpu.memref_slice %arg7[%run_scoped3A, %dma_wait3A_42] : memref<1x128xi32, #tpu.memory_space<vmem>> -> memref<1x128xi32, #tpu.memory_space<vmem>>
      %dma_wait3A_44 = tpu.memref_squeeze %dma_wait3A_43 : memref<1x128xi32, #tpu.memory_space<vmem>> -> memref<128xi32, #tpu.memory_space<vmem>>
      %dma_wait3A_45 = tpu.memref_slice %arg2[%mul3A_2] : memref<4096xi32, #tpu.memory_space<hbm>> -> memref<128xi32, #tpu.memory_space<hbm>>
      tpu.wait_dma2 semaphore(%run_scoped3A_29 : memref<!tpu.dma_semaphore, #tpu.memory_space<semaphore_mem>>) src(%dma_wait3A_45 : memref<128xi32, #tpu.memory_space<hbm>>) dst(%dma_wait3A_44 : memref<128xi32, #tpu.memory_space<vmem>>)
      tpu.yield
    }) : () -> ()
    %dma_start3A = arith.constant 0 : i32
    %dma_start3A_3 = arith.constant 0 : i32
    %dma_start3A_4 = tpu.memref_slice %arg7[%dma_start3A, %dma_start3A_3] : memref<1x128xi32, #tpu.memory_space<vmem>> -> memref<1x128xi32, #tpu.memory_space<vmem>>
    %dma_start3A_5 = tpu.memref_squeeze %dma_start3A_4 : memref<1x128xi32, #tpu.memory_space<vmem>> -> memref<128xi32, #tpu.memory_space<vmem>>
    %dma_start3A_6 = arith.constant 0 : i32
    %dma_start3A_7 = arith.constant 0 : i32
    %dma_start3A_8 = tpu.memref_slice %arg3[%dma_start3A_6, %dma_start3A_7] : memref<100000x384xf32, #tpu.memory_space<hbm>> -> memref<100000x384xf32, #tpu.memory_space<hbm>>
    tpu.enqueue_indirect_dma source(%dma_start3A_8 : memref<100000x384xf32, #tpu.memory_space<hbm>>) target(%arg8 : memref<128x384xf32, #tpu.memory_space<vmem>>) offsets(%dma_start3A_5 : memref<128xi32, #tpu.memory_space<vmem>>) semaphore(%arg10 : memref<!tpu.dma_semaphore, #tpu.memory_space<semaphore_mem>>)
    %dma_start3A_9 = arith.constant 0 : i32
    %dma_start3A_10 = arith.constant 0 : i32
    %dma_start3A_11 = tpu.memref_slice %arg7[%dma_start3A_9, %dma_start3A_10] : memref<1x128xi32, #tpu.memory_space<vmem>> -> memref<1x128xi32, #tpu.memory_space<vmem>>
    %dma_start3A_12 = tpu.memref_squeeze %dma_start3A_11 : memref<1x128xi32, #tpu.memory_space<vmem>> -> memref<128xi32, #tpu.memory_space<vmem>>
    %dma_start3A_13 = arith.constant 0 : i32
    %dma_start3A_14 = arith.constant 0 : i32
    %dma_start3A_15 = tpu.memref_slice %arg4[%dma_start3A_13, %dma_start3A_14] : memref<100000x384xf32, #tpu.memory_space<hbm>> -> memref<100000x384xf32, #tpu.memory_space<hbm>>
    tpu.enqueue_indirect_dma source(%dma_start3A_15 : memref<100000x384xf32, #tpu.memory_space<hbm>>) target(%arg9 : memref<128x384xf32, #tpu.memory_space<vmem>>) offsets(%dma_start3A_12 : memref<128xi32, #tpu.memory_space<vmem>>) semaphore(%arg11 : memref<!tpu.dma_semaphore, #tpu.memory_space<semaphore_mem>>)
    %dma_wait3A = arith.constant 0 : i32
    %dma_wait3A_16 = arith.constant 0 : i32
    %dma_wait3A_17 = tpu.memref_slice %arg7[%dma_wait3A, %dma_wait3A_16] : memref<1x128xi32, #tpu.memory_space<vmem>> -> memref<1x128xi32, #tpu.memory_space<vmem>>
    %dma_wait3A_18 = tpu.memref_squeeze %dma_wait3A_17 : memref<1x128xi32, #tpu.memory_space<vmem>> -> memref<128xi32, #tpu.memory_space<vmem>>
    %dma_wait3A_19 = arith.constant 0 : i32
    %dma_wait3A_20 = arith.constant 0 : i32
    %dma_wait3A_21 = tpu.memref_slice %arg3[%dma_wait3A_19, %dma_wait3A_20] : memref<100000x384xf32, #tpu.memory_space<hbm>> -> memref<100000x384xf32, #tpu.memory_space<hbm>>
    tpu.wait_indirect_dma semaphore(%arg10 : memref<!tpu.dma_semaphore, #tpu.memory_space<semaphore_mem>>) src(%dma_wait3A_21 : memref<100000x384xf32, #tpu.memory_space<hbm>>) dst(%arg8 : memref<128x384xf32, #tpu.memory_space<vmem>>)
    "tpu.region"() ({
      %run_scoped3A_29 = tpu.sem_alloc : memref<!tpu.dma_semaphore, #tpu.memory_space<semaphore_mem>>
      %dma_start3A_30 = arith.constant 0 : i32
      %dma_start3A_31 = tpu.memref_slice %arg5[%mul3A_2, %dma_start3A_30] : memref<4096x384xf32, #tpu.memory_space<hbm>> -> memref<128x384xf32, #tpu.memory_space<hbm>>
      %dma_start3A_32 = arith.constant 0 : i32
      %dma_start3A_33 = tpu.memref_slice %arg5[%mul3A_2, %dma_start3A_32] : memref<4096x384xf32, #tpu.memory_space<hbm>> -> memref<128x384xf32, #tpu.memory_space<hbm>>
      tpu.enqueue_dma source(%arg8 : memref<128x384xf32, #tpu.memory_space<vmem>>) target(%dma_start3A_33 : memref<128x384xf32, #tpu.memory_space<hbm>>) target_semaphore(%run_scoped3A_29 : memref<!tpu.dma_semaphore, #tpu.memory_space<semaphore_mem>>)
      %dma_wait3A_34 = arith.constant 0 : i32
      %dma_wait3A_35 = tpu.memref_slice %arg5[%mul3A_2, %dma_wait3A_34] : memref<4096x384xf32, #tpu.memory_space<hbm>> -> memref<128x384xf32, #tpu.memory_space<hbm>>
      %dma_wait3A_36 = arith.constant 0 : i32
      %dma_wait3A_37 = tpu.memref_slice %arg5[%mul3A_2, %dma_wait3A_36] : memref<4096x384xf32, #tpu.memory_space<hbm>> -> memref<128x384xf32, #tpu.memory_space<hbm>>
      tpu.wait_dma2 semaphore(%run_scoped3A_29 : memref<!tpu.dma_semaphore, #tpu.memory_space<semaphore_mem>>) src(%arg8 : memref<128x384xf32, #tpu.memory_space<vmem>>) dst(%dma_wait3A_37 : memref<128x384xf32, #tpu.memory_space<hbm>>)
      tpu.yield
    }) : () -> ()
    %dma_wait3A_22 = arith.constant 0 : i32
    %dma_wait3A_23 = arith.constant 0 : i32
    %dma_wait3A_24 = tpu.memref_slice %arg7[%dma_wait3A_22, %dma_wait3A_23] : memref<1x128xi32, #tpu.memory_space<vmem>> -> memref<1x128xi32, #tpu.memory_space<vmem>>
    %dma_wait3A_25 = tpu.memref_squeeze %dma_wait3A_24 : memref<1x128xi32, #tpu.memory_space<vmem>> -> memref<128xi32, #tpu.memory_space<vmem>>
    %dma_wait3A_26 = arith.constant 0 : i32
    %dma_wait3A_27 = arith.constant 0 : i32
    %dma_wait3A_28 = tpu.memref_slice %arg4[%dma_wait3A_26, %dma_wait3A_27] : memref<100000x384xf32, #tpu.memory_space<hbm>> -> memref<100000x384xf32, #tpu.memory_space<hbm>>
    tpu.wait_indirect_dma semaphore(%arg11 : memref<!tpu.dma_semaphore, #tpu.memory_space<semaphore_mem>>) src(%dma_wait3A_28 : memref<100000x384xf32, #tpu.memory_space<hbm>>) dst(%arg9 : memref<128x384xf32, #tpu.memory_space<vmem>>)
    "tpu.region"() ({
      %run_scoped3A_29 = tpu.sem_alloc : memref<!tpu.dma_semaphore, #tpu.memory_space<semaphore_mem>>
      %dma_start3A_30 = arith.constant 0 : i32
      %dma_start3A_31 = tpu.memref_slice %arg6[%mul3A_2, %dma_start3A_30] : memref<4096x384xf32, #tpu.memory_space<hbm>> -> memref<128x384xf32, #tpu.memory_space<hbm>>
      %dma_start3A_32 = arith.constant 0 : i32
      %dma_start3A_33 = tpu.memref_slice %arg6[%mul3A_2, %dma_start3A_32] : memref<4096x384xf32, #tpu.memory_space<hbm>> -> memref<128x384xf32, #tpu.memory_space<hbm>>
      tpu.enqueue_dma source(%arg9 : memref<128x384xf32, #tpu.memory_space<vmem>>) target(%dma_start3A_33 : memref<128x384xf32, #tpu.memory_space<hbm>>) target_semaphore(%run_scoped3A_29 : memref<!tpu.dma_semaphore, #tpu.memory_space<semaphore_mem>>)
      %dma_wait3A_34 = arith.constant 0 : i32
      %dma_wait3A_35 = tpu.memref_slice %arg6[%mul3A_2, %dma_wait3A_34] : memref<4096x384xf32, #tpu.memory_space<hbm>> -> memref<128x384xf32, #tpu.memory_space<hbm>>
      %dma_wait3A_36 = arith.constant 0 : i32
      %dma_wait3A_37 = tpu.memref_slice %arg6[%mul3A_2, %dma_wait3A_36] : memref<4096x384xf32, #tpu.memory_space<hbm>> -> memref<128x384xf32, #tpu.memory_space<hbm>>
      tpu.wait_dma2 semaphore(%run_scoped3A_29 : memref<!tpu.dma_semaphore, #tpu.memory_space<semaphore_mem>>) src(%arg9 : memref<128x384xf32, #tpu.memory_space<vmem>>) dst(%dma_wait3A_37 : memref<128x384xf32, #tpu.memory_space<hbm>>)
      tpu.yield
    }) : () -> ()
    return
  }
}

module attributes {stable_mosaic.version = 14 : i64} {
  func.func @_tc_b_phase(%arg0: i32, %arg1: memref<2048x385xbf16, #tpu.memory_space<vmem>>, %arg2: memref<2048x384xf32, #tpu.memory_space<vmem>>, %arg3: memref<2048x384xf32, #tpu.memory_space<vmem>>, %arg4: memref<1x1xf32, #tpu.memory_space<vmem>>, %arg5: memref<2xf32, #tpu.memory_space<smem>>) attributes {dimension_semantics = [#tpu.dimension_semantics<arbitrary>], iteration_bounds = array<i64: 2>, scalar_prefetch = 0 : i64, scratch_operands = 1 : i64, tpu.core_type = #tpu.core_type<tc>, window_params = [{transform_indices = @transform_0, window_bounds = array<i64: 2048, 385>}, {transform_indices = @transform_1, window_bounds = array<i64: 2048, 384>}, {transform_indices = @transform_2, window_bounds = array<i64: 2048, 384>}, {pipeline_mode = #tpu.pipeline_mode<synchronous>, transform_indices = @transform_3, window_bounds = array<i64: 1, 1>}]} {
    %eq3A = arith.constant 0 : i32
    %eq3A_0 = arith.cmpi eq, %arg0, %eq3A : i32
    %convert_element_type3A = arith.extui %eq3A_0 : i1 to i32
    %cond3A = arith.constant 0 : i32
    %cond3A_1 = arith.cmpi ne, %convert_element_type3A, %cond3A : i32
    scf.if %cond3A_1 {
      %swap3A_53 = arith.constant 0.000000e+00 : f32
      %swap3A_54 = arith.constant 0 : index
      %swap3A_55 = memref.load %arg5[%swap3A_54] : memref<2xf32, #tpu.memory_space<smem>>
      memref.store %swap3A_53, %arg5[%swap3A_54] : memref<2xf32, #tpu.memory_space<smem>>
      %swap3A_56 = arith.constant 0.000000e+00 : f32
      %swap3A_57 = arith.constant 1 : index
      %swap3A_58 = memref.load %arg5[%swap3A_57] : memref<2xf32, #tpu.memory_space<smem>>
      memref.store %swap3A_56, %arg5[%swap3A_57] : memref<2xf32, #tpu.memory_space<smem>>
    } else {
    }
    %get3A = arith.constant 0 : index
    %get3A_2 = arith.constant 0 : index
    %get3A_3 = vector.load %arg1[%get3A, %get3A_2] : memref<2048x385xbf16, #tpu.memory_space<vmem>>, vector<2048x385xbf16>
    %convert_element_type3A_4 = arith.extf %get3A_3 : vector<2048x385xbf16> to vector<2048x385xf32>
    %slice3A = vector.extract_strided_slice %convert_element_type3A_4 {offsets = [0, 0], sizes = [2048, 384], strides = [1, 1]} : vector<2048x385xf32> to vector<2048x384xf32>
    %slice3A_5 = vector.extract_strided_slice %convert_element_type3A_4 {offsets = [0, 384], sizes = [2048, 1], strides = [1, 1]} : vector<2048x385xf32> to vector<2048x1xf32>
    %get3A_6 = arith.constant 0 : index
    %get3A_7 = arith.constant 0 : index
    %get3A_8 = vector.load %arg2[%get3A_6, %get3A_7] : memref<2048x384xf32, #tpu.memory_space<vmem>>, vector<2048x384xf32>
    %mul3A = arith.constant 0.899999976 : f32
    %mul3A_9 = vector.broadcast %mul3A : f32 to vector<2048x384xf32>
    %mul3A_10 = arith.mulf %get3A_8, %mul3A_9 : vector<2048x384xf32>
    %mul3A_11 = arith.constant 1.000000e-01 : f32
    %mul3A_12 = vector.broadcast %mul3A_11 : f32 to vector<2048x384xf32>
    %mul3A_13 = arith.mulf %slice3A, %mul3A_12 : vector<2048x384xf32>
    %add3A = arith.addf %mul3A_10, %mul3A_13 : vector<2048x384xf32>
    %mul3A_14 = arith.mulf %add3A, %add3A : vector<2048x384xf32>
    %reduce_sum3A = arith.constant dense<0.000000e+00> : vector<2048xf32>
    %reduce_sum3A_15 = vector.multi_reduction <add>, %mul3A_14, %reduce_sum3A [1] : vector<2048x384xf32> to vector<2048xf32>
    %broadcast_in_dim3A = vector.shape_cast %reduce_sum3A_15 : vector<2048xf32> to vector<2048x1xf32>
    %gt3A = arith.constant 0.000000e+00 : f32
    %gt3A_16 = vector.broadcast %gt3A : f32 to vector<2048x1xf32>
    %gt3A_17 = arith.cmpf ogt, %broadcast_in_dim3A, %gt3A_16 : vector<2048x1xf32>
    %rsqrt3A = math.rsqrt %broadcast_in_dim3A : vector<2048x1xf32>
    %jit3A = arith.constant 1.000000e+00 : f32
    %broadcast_in_dim3A_18 = vector.broadcast %jit3A : f32 to vector<2048x1xf32>
    %select_n3A = arith.select %gt3A_17, %rsqrt3A, %broadcast_in_dim3A_18 : vector<2048x1xi1>, vector<2048x1xf32>
    %mul3A_19 = vector.broadcast %select_n3A : vector<2048x1xf32> to vector<2048x384xf32>
    %mul3A_20 = arith.mulf %add3A, %mul3A_19 : vector<2048x384xf32>
    %get3A_21 = arith.constant 0 : index
    %get3A_22 = arith.constant 0 : index
    %get3A_23 = vector.load %arg3[%get3A_21, %get3A_22] : memref<2048x384xf32, #tpu.memory_space<vmem>>, vector<2048x384xf32>
    %sub3A = arith.subf %mul3A_20, %get3A_23 : vector<2048x384xf32>
    %mul3A_24 = arith.mulf %sub3A, %sub3A : vector<2048x384xf32>
    %reduce_sum3A_25 = arith.constant dense<0.000000e+00> : vector<2048xf32>
    %reduce_sum3A_26 = vector.multi_reduction <add>, %mul3A_24, %reduce_sum3A_25 [1] : vector<2048x384xf32> to vector<2048xf32>
    %broadcast_in_dim3A_27 = vector.shape_cast %reduce_sum3A_26 : vector<2048xf32> to vector<2048x1xf32>
    %get3A_28 = arith.constant 0 : index
    %get3A_29 = memref.load %arg5[%get3A_28] : memref<2xf32, #tpu.memory_space<smem>>
    %mul3A_30 = arith.mulf %broadcast_in_dim3A_27, %slice3A_5 : vector<2048x1xf32>
    %reduce_sum3A_31 = vector.shape_cast %mul3A_30 : vector<2048x1xf32> to vector<1x2048x1xf32>
    %reduce_sum3A_32 = arith.constant dense<0.000000e+00> : vector<1xf32>
    %reduce_sum3A_33 = vector.multi_reduction <add>, %reduce_sum3A_31, %reduce_sum3A_32 [1, 2] : vector<1x2048x1xf32> to vector<1xf32>
    %reduce_sum3A_34 = vector.shape_cast %reduce_sum3A_33 : vector<1xf32> to vector<1x1x1xf32>
    %reduce_sum3A_35 = vector.extract %reduce_sum3A_34[0, 0, 0] : f32 from vector<1x1x1xf32>
    %add3A_36 = arith.addf %get3A_29, %reduce_sum3A_35 : f32
    %swap3A = arith.constant 0 : index
    %swap3A_37 = memref.load %arg5[%swap3A] : memref<2xf32, #tpu.memory_space<smem>>
    memref.store %add3A_36, %arg5[%swap3A] : memref<2xf32, #tpu.memory_space<smem>>
    %get3A_38 = arith.constant 1 : index
    %get3A_39 = memref.load %arg5[%get3A_38] : memref<2xf32, #tpu.memory_space<smem>>
    %reduce_sum3A_40 = vector.shape_cast %slice3A_5 : vector<2048x1xf32> to vector<1x2048x1xf32>
    %reduce_sum3A_41 = arith.constant dense<0.000000e+00> : vector<1xf32>
    %reduce_sum3A_42 = vector.multi_reduction <add>, %reduce_sum3A_40, %reduce_sum3A_41 [1, 2] : vector<1x2048x1xf32> to vector<1xf32>
    %reduce_sum3A_43 = vector.shape_cast %reduce_sum3A_42 : vector<1xf32> to vector<1x1x1xf32>
    %reduce_sum3A_44 = vector.extract %reduce_sum3A_43[0, 0, 0] : f32 from vector<1x1x1xf32>
    %add3A_45 = arith.addf %get3A_39, %reduce_sum3A_44 : f32
    %swap3A_46 = arith.constant 1 : index
    %swap3A_47 = memref.load %arg5[%swap3A_46] : memref<2xf32, #tpu.memory_space<smem>>
    memref.store %add3A_45, %arg5[%swap3A_46] : memref<2xf32, #tpu.memory_space<smem>>
    %eq3A_48 = arith.constant 1 : i32
    %eq3A_49 = arith.cmpi eq, %arg0, %eq3A_48 : i32
    %convert_element_type3A_50 = arith.extui %eq3A_49 : i1 to i32
    %cond3A_51 = arith.constant 0 : i32
    %cond3A_52 = arith.cmpi ne, %convert_element_type3A_50, %cond3A_51 : i32
    scf.if %cond3A_52 {
      %get3A_53 = arith.constant 0 : index
      %get3A_54 = memref.load %arg5[%get3A_53] : memref<2xf32, #tpu.memory_space<smem>>
      %get3A_55 = arith.constant 1 : index
      %get3A_56 = memref.load %arg5[%get3A_55] : memref<2xf32, #tpu.memory_space<smem>>
      %max3A = arith.constant 1.000000e+00 : f32
      %max3A_57 = arith.maximumf %get3A_56, %max3A : f32
      %div3A = arith.divf %get3A_54, %max3A_57 : f32
      %reshape3A = vector.broadcast %div3A : f32 to vector<1x1xf32>
      %swap3A_58 = arith.constant 0 : index
      %swap3A_59 = arith.constant 0 : index
      %swap3A_60 = vector.load %arg4[%swap3A_58, %swap3A_59] : memref<1x1xf32, #tpu.memory_space<vmem>>, vector<1x1xf32>
      tpu.vector_store %arg4[%swap3A_58, %swap3A_59], %reshape3A {strides = array<i32>} : memref<1x1xf32, #tpu.memory_space<vmem>>, vector<1x1xf32>,
    } else {
    }
    return
  }
  func.func @transform_0(%arg0: i32) -> (i32, i32) {
    %c0_i32 = arith.constant 0 : i32
    %c0_i32_0 = arith.constant 0 : i32
    return %arg0, %c0_i32 : i32, i32
  }
  func.func @transform_1(%arg0: i32) -> (i32, i32) {
    %c0_i32 = arith.constant 0 : i32
    %c0_i32_0 = arith.constant 0 : i32
    return %arg0, %c0_i32 : i32, i32
  }
  func.func @transform_2(%arg0: i32) -> (i32, i32) {
    %c0_i32 = arith.constant 0 : i32
    %c0_i32_0 = arith.constant 0 : i32
    return %arg0, %c0_i32 : i32, i32
  }
  func.func @transform_3(%arg0: i32) -> (i32, i32) {
    %c0_i32 = arith.constant 0 : i32
    %c0_i32_0 = arith.constant 0 : i32
    %c0_i32_1 = arith.constant 0 : i32
    return %c0_i32, %c0_i32_0 : i32, i32
  }
}

module attributes {stable_mosaic.version = 14 : i64} {
  func.func @_tc_a_phase(%arg0: i32, %arg1: memref<1x1x4096xi32, #tpu.memory_space<vmem>>, %arg2: memref<1x4096xi32, #tpu.memory_space<vmem>>, %arg3: memref<4096x384xf32, #tpu.memory_space<vmem>>, %arg4: memref<4096x385xbf16, #tpu.memory_space<vmem>>, %arg5: memref<4096x385xbf16, #tpu.memory_space<vmem>>) attributes {dimension_semantics = [#tpu.dimension_semantics<arbitrary>], iteration_bounds = array<i64: 1>, scalar_prefetch = 0 : i64, scratch_operands = 1 : i64, tpu.core_type = #tpu.core_type<tc>, window_params = [{transform_indices = @transform_0, window_bounds = array<i64: 1, 1, 4096>}, {pipeline_mode = #tpu.pipeline_mode<synchronous>, transform_indices = @transform_1, window_bounds = array<i64: 1, 4096>}, {pipeline_mode = #tpu.pipeline_mode<synchronous>, transform_indices = @transform_2, window_bounds = array<i64: 4096, 384>}, {transform_indices = @transform_3, window_bounds = array<i64: 4096, 385>}]} {
    %eq3A = arith.constant 0 : i32
    %eq3A_0 = arith.cmpi eq, %arg0, %eq3A : i32
    %convert_element_type3A = arith.extui %eq3A_0 : i1 to i32
    %cond3A = arith.constant 0 : i32
    %cond3A_1 = arith.cmpi ne, %convert_element_type3A, %cond3A : i32
    scf.if %cond3A_1 {
      %get3A_28 = arith.constant 0 : index
      %get3A_29 = arith.constant 0 : index
      %get3A_30 = vector.load %arg3[%get3A_28, %get3A_29] : memref<4096x384xf32, #tpu.memory_space<vmem>>, vector<4096x384xf32>
      %convert_element_type3A_31 = arith.truncf %get3A_30 : vector<4096x384xf32> to vector<4096x384xbf16>
      %swap3A_32 = arith.constant 0 : index
      %swap3A_33 = arith.constant 0 : index
      %swap3A_34 = vector.load %arg5[%swap3A_32, %swap3A_33] : memref<4096x385xbf16, #tpu.memory_space<vmem>>, vector<4096x384xbf16>
      tpu.vector_store %arg5[%swap3A_32, %swap3A_33], %convert_element_type3A_31 {strides = array<i32>} : memref<4096x385xbf16, #tpu.memory_space<vmem>>, vector<4096x384xbf16>,
      %broadcast_in_dim3A = arith.constant 1.000000e+00 : bf16
      %broadcast_in_dim3A_35 = vector.broadcast %broadcast_in_dim3A : bf16 to vector<4096x1xbf16>
      %swap3A_36 = arith.constant 0 : index
      %swap3A_37 = arith.constant 384 : index
      %swap3A_38 = vector.load %arg5[%swap3A_36, %swap3A_37] : memref<4096x385xbf16, #tpu.memory_space<vmem>>, vector<4096x1xbf16>
      tpu.vector_store %arg5[%swap3A_36, %swap3A_37], %broadcast_in_dim3A_35 {strides = array<i32>} : memref<4096x385xbf16, #tpu.memory_space<vmem>>, vector<4096x1xbf16>,
    } else {
    }
    %get3A = arith.constant 0 : index
    %get3A_2 = arith.constant 0 : index
    %get3A_3 = arith.constant 0 : index
    %get3A_4 = vector.load %arg1[%get3A, %get3A_2, %get3A_3] : memref<1x1x4096xi32, #tpu.memory_space<vmem>>, vector<1x1x4096xi32>
    %get3A_5 = vector.shape_cast %get3A_4 : vector<1x1x4096xi32> to vector<1x4096xi32>
    %transpose3A = tpu.transpose %get3A_5, [1, 0] : vector<1x4096xi32> -> vector<4096x1xi32>
    %get3A_6 = arith.constant 0 : index
    %get3A_7 = arith.constant 0 : index
    %get3A_8 = vector.load %arg2[%get3A_6, %get3A_7] : memref<1x4096xi32, #tpu.memory_space<vmem>>, vector<1x4096xi32>
    %eq3A_9 = vector.broadcast %transpose3A : vector<4096x1xi32> to vector<4096x4096xi32>
    %eq3A_10 = vector.broadcast %get3A_8 : vector<1x4096xi32> to vector<4096x4096xi32>
    %eq3A_11 = arith.cmpi eq, %eq3A_9, %eq3A_10 : vector<4096x4096xi32>
    %convert_element_type3A_12 = arith.extui %eq3A_11 : vector<4096x4096xi1> to vector<4096x4096xi32>
    %convert_element_type3A_13 = arith.sitofp %convert_element_type3A_12 : vector<4096x4096xi32> to vector<4096x4096xf32>
    %convert_element_type3A_14 = arith.truncf %convert_element_type3A_13 : vector<4096x4096xf32> to vector<4096x4096xbf16>
    %get3A_15 = arith.constant 0 : index
    %get3A_16 = arith.constant 0 : index
    %get3A_17 = vector.load %arg5[%get3A_15, %get3A_16] : memref<4096x385xbf16, #tpu.memory_space<vmem>>, vector<4096x385xbf16>
    %dot_general3A = arith.constant dense<0.000000e+00> : vector<4096x385xf32>
    %dot_general3A_18 = tpu.matmul %convert_element_type3A_14, %get3A_17, %dot_general3A {dimension_numbers = #tpu.dot_dimension_numbers<[1], [0], [0], [1], [0, 0, 1, 1], [], []>, transpose_lhs_hint = false} : vector<4096x4096xbf16>, vector<4096x385xbf16>, vector<4096x385xf32> -> vector<4096x385xf32>
    %slice3A = vector.extract_strided_slice %dot_general3A_18 {offsets = [0, 0], sizes = [4096, 384], strides = [1, 1]} : vector<4096x385xf32> to vector<4096x384xf32>
    %slice3A_19 = vector.extract_strided_slice %dot_general3A_18 {offsets = [0, 384], sizes = [4096, 1], strides = [1, 1]} : vector<4096x385xf32> to vector<4096x1xf32>
    %max3A = arith.constant 1.000000e+00 : f32
    %max3A_20 = vector.broadcast %max3A : f32 to vector<4096x1xf32>
    %max3A_21 = arith.maximumf %slice3A_19, %max3A_20 : vector<4096x1xf32>
    %div3A = arith.constant 1.000000e+00 : f32
    %div3A_22 = vector.broadcast %div3A : f32 to vector<4096x1xf32>
    %div3A_23 = arith.divf %div3A_22, %max3A_21 : vector<4096x1xf32>
    %mul3A = vector.broadcast %div3A_23 : vector<4096x1xf32> to vector<4096x384xf32>
    %mul3A_24 = arith.mulf %slice3A, %mul3A : vector<4096x384xf32>
    %concatenate3A = tpu.concatenate %mul3A_24, %div3A_23 in 1 : vector<4096x384xf32>, vector<4096x1xf32> -> vector<4096x385xf32>
    %convert_element_type3A_25 = arith.truncf %concatenate3A : vector<4096x385xf32> to vector<4096x385xbf16>
    %swap3A = arith.constant 0 : index
    %swap3A_26 = arith.constant 0 : index
    %swap3A_27 = vector.load %arg4[%swap3A, %swap3A_26] : memref<4096x385xbf16, #tpu.memory_space<vmem>>, vector<4096x385xbf16>
    tpu.vector_store %arg4[%swap3A, %swap3A_26], %convert_element_type3A_25 {strides = array<i32>} : memref<4096x385xbf16, #tpu.memory_space<vmem>>, vector<4096x385xbf16>,
    return
  }
  func.func @transform_0(%arg0: i32) -> (i32, i32, i32) {
    %c0_i32 = arith.constant 0 : i32
    %c0_i32_0 = arith.constant 0 : i32
    %c0_i32_1 = arith.constant 0 : i32
    return %arg0, %c0_i32, %c0_i32_0 : i32, i32, i32
  }
  func.func @transform_1(%arg0: i32) -> (i32, i32) {
    %c0_i32 = arith.constant 0 : i32
    %c0_i32_0 = arith.constant 0 : i32
    %c0_i32_1 = arith.constant 0 : i32
    return %c0_i32, %c0_i32_0 : i32, i32
  }
  func.func @transform_2(%arg0: i32) -> (i32, i32) {
    %c0_i32 = arith.constant 0 : i32
    %c0_i32_0 = arith.constant 0 : i32
    %c0_i32_1 = arith.constant 0 : i32
    return %c0_i32, %c0_i32_0 : i32, i32
  }
  func.func @transform_3(%arg0: i32) -> (i32, i32) {
    %c0_i32 = arith.constant 0 : i32
    %c0_i32_0 = arith.constant 0 : i32
    return %arg0, %c0_i32 : i32, i32
  }
}

</mosaic_0001>

<sc_bundles>
// kernel: kernel.5.cloned.1.call-start
scs
__scs_entry_jumppad:
0x0: {  	(pc) =	sbr.rel $0x88, $3  }
0x1: {  	(tag) =	ssettag $0x0;
	lr =	simm.s32 $0x1  }
0x2: {  	[smem:$0x3F9D] =	sst lr;
	_ =	strace $0xD0000000  }
0x3: {  	_ = 	snop  }
0x4: {  	_ = 	snop  }
0x5: {  	_ = 	snop  }
0x6: {  	_ = 	snop  }
0x7: {  	_ = 	snop  }
__scs_overlays_trampoline_lowered:
0x8: {  	[smem:$0x3FAC] =	sst s0  }
0x9: {  	[smem:$0x3FAD] =	sst s1  }
0xa: {  	[smem:$0x3FAE] =	sst s2  }
0xb: {  	[smem:$0x3FAF] =	sst s3  }
0xc: {  	[smem:$0x3FB0] =	sst s4  }
0xd: {  	[smem:$0x3FB1] =	sst s5  }
0xe: {  	[smem:$0x3FB2] =	sst s6  }
0xf: {  	[smem:$0x3FB3] =	sst s7  }
0x10: {  	[smem:$0x3FB4] =	sst s8  }
0x11: {  	[smem:$0x3FB5] =	sst s9;
	s0 =	simm.s32 @!p0 $0x0  }
0x12: {  	s1 =	sld [smem:$0x3F9B];
	s0 =	simm.s32 @p0 $0x1  }
0x13: {  	[smem:$0x3FB6] =	sst s0;
	s0 =	simm.s32 @!p1 $0x0  }
0x14: {  	s2 =	sld [smem:$0x3F9A];
	s0 =	simm.s32 @p1 $0x1  }
0x15: {  	[smem:$0x3FB7] =	sst s0;
	s0 =	simm.s32 @!p2 $0x0  }
0x16: {  	s3 =	sld [smem:$0x3FDB];
	s0 =	simm.s32 @p2 $0x1  }
0x17: {  	s4 =	simm.s32 $0x1BF5;
	[smem:$0x3FB9] =	sst s0  }
0x18: {  	s0 =	sld [smem:$0x3F9C];
	_ =	swait.ge [sflag:s4], $0x0  }
0x19: {  	s7 =	sld [smem:$0x3F9D]  }
0x1a: {  	s8 =	sadd.s32 $0xFFFFE003, lr  }
0x1b: {  	s9 =	sadd.s32 $0xFFFFFEF7, lr;
	s5 =	simm.s32 $0xFFFFFFFF;
	p2 =	slt.u32 s8, $0xFFFFF086  }
0x1c: {  	p1 =	slt.u32 s9, $0xF7A;
	s5 =	simm.s32 @!p2 $0x0  }
0x1d: {  	s5 =	simm.s32 @p1 $0x1;
	p0 =	seq.s32 s7, s2  }
0x1e: {  	s7 =	smul.u32 @!p0 $0xF7A, s2;
	p2 =	seq.s32 @!p0 s5, $0x0  }
0x1f: {  	s9 =	smul.u32 $0xF7A, s1;
	s8 =	simm.s32 @!p0 $0x1BF5;
	p2 =	por !p2, p0  }
0x20: {  	[sflag:s8] =	ssyncset.s32 @!p0 $0xFFFFF086;
	s6 =	sadd.s32 @!p0 s3, s7;
	s7 =	simm.s32 @!p0 $0x108  }
0x21: {  	s3 =	sadd.s32 s3, s9;
	s6 =	sadd.s32 @!p0 $0x88, s6;
	s7 =	simm.s32 @p2 $0x1082  }
0x22: {  	[simem:s7], [sflag:s8] =	dma.local @!p0 [hbm:s6], $0xF7A  }
0x23: {  	s9 =	sor.u32 $0xD0000000, s2;
	s6 =	simm.s32 $0x108;
	_ =	swait.ge @!p0 [sflag:s8], $0x0  }
0x24: {  	s3 =	sadd.s32 $0x88, s3;
	s6 =	simm.s32 @!p1 $0x1082;
	[sflag:s4] =	ssyncset.s32 $0xFFFFF086  }
0x25: {  	[simem:s6], [sflag:s4] =	dma.local [hbm:s3], $0xF7A  }
0x26: {  	[smem:$0x3F9D] =	sst s1;
	(tag) =	ssettag s2;
	_ =	strace s9  }
0x27: {  	s1 =	sld [smem:$0x3FAD]  }
0x28: {  	s2 =	sld [smem:$0x3FAE]  }
0x29: {  	s4 =	sld [smem:$0x3FB0]  }
0x2a: {  	p0 =	seq.s32 s5, $0x0;
	s5 =	sld [smem:$0x3FB1]  }
0x2b: {  	s6 =	sld [smem:$0x3FB2]  }
0x2c: {  	s7 =	sld [smem:$0x3FB3]  }
0x2d: {  	s3 =	simm.s32 $0x108;
	s8 =	sld [smem:$0x3FB4]  }
0x2e: {  	s3 =	simm.s32 @!p0 $0x1082;
	s9 =	sld [smem:$0x3FB5]  }
0x2f: {  	lr =	sadd.s32 s0, s3;
	s0 =	sld [smem:$0x3FAC]  }
0x30: {  	s3 =	sld [smem:$0x3FAF]  }
0x31: {  	[smem:$0x3FB8] =	sst s10  }
0x32: {  	s10 =	sld [smem:$0x3FB6];
	_ =	sdelay $0x3  }
0x33: {  	p0 =	seq.s32 s10, $0x1;
	s10 =	sld [smem:$0x3FB8];
	_ =	sdelay $0x3  }
0x34: {  	[smem:$0x3FB8] =	sst s10  }
0x35: {  	s10 =	sld [smem:$0x3FB7];
	_ =	sdelay $0x3  }
0x36: {  	p1 =	seq.s32 s10, $0x1;
	s10 =	sld [smem:$0x3FB8];
	_ =	sdelay $0x3  }
0x37: {  	[smem:$0x3FB8] =	sst s10  }
0x38: {  	s10 =	sld [smem:$0x3FB9]  }
0x39: {  	_ = 	snop;
	(pc) =	sbr.ind lr, $3  }
0x3a: {  	_ = 	snop  }
0x3b: {  	_ = 	snop  }
0x3c: {  	p2 =	seq.s32 s10, $0x1;
	s10 =	sld [smem:$0x3FB8]  }
0x3d: {  	_ =	shalt  }
0x3e: {  	_ =	shalt  }
0x3f: {  	_ =	shalt  }
0x40: {  	_ =	shalt  }
0x41: {  	_ =	shalt  }
0x42: {  	_ =	shalt  }
0x43: {  	_ =	shalt  }
0x44: {  	_ =	shalt  }
0x45: {  	_ =	shalt  }
0x46: {  	_ =	shalt  }
0x47: {  	_ =	shalt  }
0x48: {  	_ =	shalt  }
0x49: {  	_ =	shalt  }
0x4a: {  	_ =	shalt  }
0x4b: {  	_ =	shalt  }
0x4c: {  	_ =	shalt  }
0x4d: {  	_ =	shalt  }
0x4e: {  	_ =	shalt  }
0x4f: {  	_ =	shalt  }
0x50: {  	_ =	shalt  }
0x51: {  	_ =	shalt  }
0x52: {  	_ =	shalt  }
0x53: {  	_ =	shalt  }
0x54: {  	_ =	shalt  }
0x55: {  	_ =	shalt  }
0x56: {  	_ =	shalt  }
0x57: {  	_ =	shalt  }
0x58: {  	_ =	shalt  }
0x59: {  	_ =	shalt  }
0x5a: {  	_ =	shalt  }
0x5b: {  	_ =	shalt  }
0x5c: {  	_ =	shalt  }
0x5d: {  	_ =	shalt  }
0x5e: {  	_ =	shalt  }
0x5f: {  	_ =	shalt  }
0x60: {  	_ =	shalt  }
0x61: {  	_ =	shalt  }
0x62: {  	_ =	shalt  }
0x63: {  	_ =	shalt  }
0x64: {  	_ =	shalt  }
0x65: {  	_ =	shalt  }
0x66: {  	_ =	shalt  }
0x67: {  	_ =	shalt  }
0x68: {  	_ =	shalt  }
0x69: {  	_ =	shalt  }
0x6a: {  	_ =	shalt  }
0x6b: {  	_ =	shalt  }
0x6c: {  	_ =	shalt  }
0x6d: {  	_ =	shalt  }
0x6e: {  	_ =	shalt  }
0x6f: {  	_ =	shalt  }
0x70: {  	_ =	shalt  }
0x71: {  	_ =	shalt  }
0x72: {  	_ =	shalt  }
0x73: {  	_ =	shalt  }
0x74: {  	_ =	shalt  }
0x75: {  	_ =	shalt  }
0x76: {  	_ =	shalt  }
0x77: {  	_ =	shalt  }
0x78: {  	_ =	shalt  }
0x79: {  	_ =	shalt  }
0x7a: {  	_ =	shalt  }
0x7b: {  	_ =	shalt  }
0x7c: {  	_ =	shalt  }
0x7d: {  	_ =	shalt  }
0x7e: {  	_ =	shalt  }
0x7f: {  	_ =	shalt  }
0x80: {  	_ =	shalt  }
0x81: {  	_ =	shalt  }
0x82: {  	_ =	shalt  }
0x83: {  	_ =	shalt  }
0x84: {  	_ =	shalt  }
0x85: {  	_ =	shalt  }
0x86: {  	_ =	shalt  }
0x87: {  	_ =	shalt  }
.Lfunc_end0:
.L_simem_size_0:
called_computation_lowered:
.L_overlay_start_0:
0x88: {  	s2 =	sld [smem:$0x3FD9]  }
0x89: {  	s3 =	sld [smem:$0x3FFE];
	_ =	sdelay $0x1  }
0x8a: {  	s1 =	srdreg.scid  }
0x8b: {  	s0 =	sand.u32 $0x1, s1  }
0x8c: {  	s17 =	sshll.u32 s0, $0xA;
	s2 =	sadd.s32 s3, s2  }
0x8d: {  	s2 =	sadd.s32 s2, s17  }
0x8e: {  	[smem:$0x3FC4] =	sst s2  }
0x8f: {  	_ = 	snop  }
0x90: {  	s2 =	sld [smem:$0x3FC8]  }
0x91: {  	s18 =	sld [smem:$0x3FC7]  }
0x92: {  	s4 =	sld [smem:$0x3FC6];
	(tm) =	ssettm $0x1  }
0x93: {  	s5 =	sld [smem:$0x3FFB];
	_ =	sdelay $0x3  }
0x94: {  	_ =	strace s5  }
0x95: {  	s5 =	sld [smem:$0x3FFC];
	_ =	sdelay $0x3  }
0x96: {  	_ =	strace s5  }
0x97: {  	s5 =	sld [smem:$0x3FFD];
	_ =	sdelay $0x3  }
0x98: {  	_ =	strace s5  }
0x99: {  	_ =	strace $0x8FFFFFFF  }
0x9a: {  	s19 =	sld [smem:$0x3FDB];
	_ =	sdelay $0x1  }
0x9b: {  	s6 =	simm.s32 $_scs_section_size  }
0x9c: {  	s7 =	simm.s32 $_size__tile_overlayer_lowered;
	s8 =	simm.s32 $_tile_overlayer_lowered  }
0x9d: {  	s22 =	simm.s32 $0x1BFF;
	s21 =	sshll.u32 s8, $0x1;
	s5 =	sadd.s32 s6, s19  }
0x9e: {  	s9 =	simm.s32 $0x0;
	s20 =	sshll.u32 s7, $0x1;
	s7 =	sadd.s32 s21, s5  }
0x9f: {  	[timem:s9], [sflag:s22] =	dma.local [hbm:s7], s20  }
0xa0: {  	_ =	swait.ge [sflag:s22], s20  }
0xa1: {  	s6 =	ssub.s32 $0x0, s20;
	[sflag:s22] =	ssyncset.done $0x0  }
0xa2: {  	[sflag:s22] =	ssyncadd.s32 s6;
	_ =	sdelay $0x1  }
0xa3: {  	s23 =	simm.s32 $0x1B8B  }
0xa4: {  	_ =	swait.ge [sflag:s23], $0x1  }
0xa5: {  	[sflag:s23] =	ssyncset.done $0x0  }
0xa6: {  	s25 =	simm.s32 $0x1B8E;
	s24 =	sld [smem:$0x3FFE];
	[sflag:s23] =	ssyncadd.s32 $0xFFFFFFFF  }
0xa7: {  	s26 =	simm.s32 $execute0_lowered;
	[smem:$0x3FD2] =	sst s25  }
0xa8: {  	s7 =	sshll.u32 s26, $0x1;
	_ =	strace $0x80000046;
	[dreg:$0x1] =	wrdreg $0xFFFFFFFF  }
0xa9: {  	s28 =	simm.s32 $_size_execute0_lowered;
	s5 =	sadd.s32 s5, s7;
	[dreg:$0x0] =	wrdreg $0x0  }
0xaa: {  	s7 =	sshll.u32 s28, $0x1;
	[dreg:$0x2] =	wrdreg s5  }
0xab: {  	[dreg:$0x3] =	wrdreg s7  }
0xac: {  	[dreg:$0x4] =	wrdreg $0xC0  }
0xad: {  	_ =	task [dreg:s9], $0x5FFFF  }
0xae: {  	[dreg:$0x1] =	wrdreg $0xFFFFFFFF  }
0xaf: {  	[dreg:$0x0] =	wrdreg $0x60  }
0xb0: {  	[dreg:$0x2] =	wrdreg s2  }
0xb1: {  	[dreg:$0x3] =	wrdreg s18  }
0xb2: {  	[dreg:$0x4] =	wrdreg s4  }
0xb3: {  	[dreg:$0x5] =	wrdreg s24  }
0xb4: {  	[dreg:$0x6] =	wrdreg $0x9  }
0xb5: {  	_ =	task.clear_ibuf [dreg:s9], $0x7FFFF;
	_ =	strace $0x90000046  }
0xb6: {  	s29 =	simm.s32 $0x9;
	_ =	strace $0x80000048  }
0xb7: {  	_ =	swait.ge [sflag:s29], $0x1  }
0xb8: {  	[sflag:s29] =	ssyncadd.s32 $0xFFFFFFFF  }
0xb9: {  	_ =	strace $0x90000048  }
0xba: {  	_ =	sfence  }
0xbb: {  	s30 =	sld [smem:$0x0];
	_ =	sdelay $0x2  }
0xbc: {  	s31 =	sshll.u32 s1, $0xD;
	s1 =	sshrl.u32 s1, $0x2  }
0xbd: {  	s3 =	sand.u32 $0x4000, s31;
	s1 =	sadd.s32 s1, s30  }
0xbe: {  	s0 =	sor.u32 s3, s0;
	s1 =	sshll.u32 s1, $0x11  }
0xbf: {  	s0 =	sor.u32 s1, s0  }
0xc0: {  	s0 =	sadd.s32 $0x8F2B, s0  }
0xc1: {  	[sflag:s0] =	ssyncadd.remote.s32 $0x1  }
0xc2: {  	_ =	sfence.sel $0xFFFF  }
0xc3: {  	[dreg:$0x0] =	wrdreg $0xFFFFFFFF;
	(pc) =	sbr.abs _section_cstart, $3  }
0xc4: {  	[dreg:$0x1] =	wrdreg $0xFFFFFFFF  }
0xc5: {  	_ =	task.clear_ibuf [dreg:s9], $0x2FFFF;
	_ =	strace $0x9FFFFFFF  }
0xc6: {  	(tm) =	ssettm $0x7FFFFFFF  }
0xc7: {  	_ =	shalt  }
tec
execute0_lowered:
.L_overlay_start_1:
0x0: {  	(tag) =	ssettag $0x1  }
0x1: {  	s5 =	rddreg [dreg:$0x0];
	s2 =	srdreg.scid  }
0x2: {  	s1 =	rddreg [dreg:$0x1];
	s0 =	stileid.u32;
	s2 =	sand.u32 $0x1, s2  }
0x3: {  	s3 =	rddreg [dreg:$0x2];
	s4 =	sshll.u32 s0, $0x5;
	s6 =	sshll.u32 s2, $0x4  }
0x4: {  	s7 =	rddreg [dreg:$0x3];
	s6 =	sor.u32 s6, s4;
	s4 =	simm.s32 $0x0  }
0x5: {  	[smem:$0x7FF] =	sst s4;
	s5 =	sadd.s32 s5, s6  }
0x6: {  	s0 =	simm.s32 $0x880;
	_ =	strace $0x80000047;
	[dreg:$0x5] =	wrdreg s5  }
0x7: {  	s8 =	smul.u32 $0x180, s6;
	s6 =	simm.s32 $0xC80;
	[dreg:$0x8] =	wrdreg s0  }
0x8: {  	s9 =	simm.s32 $0x2080;
	[dreg:$0x9] =	wrdreg s6  }
0x9: {  	s10 =	simm.s32 $0x2480;
	[dreg:$0xc] =	wrdreg s9  }
0xa: {  	s11 =	simm.s32 $0x2C80;
	[dreg:$0xd] =	wrdreg s10  }
0xb: {  	s12 =	simm.s32 $0x3080;
	[dreg:$0xe] =	wrdreg s11  }
0xc: {  	s13 =	simm.s32 $0x3880;
	[dreg:$0xf] =	wrdreg s12  }
0xd: {  	s14 =	simm.s32 $0x3C80;
	[dreg:$0x10] =	wrdreg s13  }
0xe: {  	s15 =	simm.s32 $0x4480;
	[dreg:$0x11] =	wrdreg s14  }
0xf: {  	s16 =	simm.s32 $0x4880;
	[dreg:$0x12] =	wrdreg s15  }
0x10: {  	s17 =	simm.s32 $0x5080;
	[dreg:$0x13] =	wrdreg s16  }
0x11: {  	s18 =	simm.s32 $0x5480;
	[dreg:$0x14] =	wrdreg s17  }
0x12: {  	s19 =	simm.s32 $0x5C80;
	[dreg:$0x15] =	wrdreg s18  }
0x13: {  	s20 =	simm.s32 $0x6080;
	[dreg:$0x16] =	wrdreg s19  }
0x14: {  	s21 =	simm.s32 $0x6880;
	[dreg:$0x17] =	wrdreg s20  }
0x15: {  	s22 =	simm.s32 $0x6C80;
	[dreg:$0x18] =	wrdreg s21  }
0x16: {  	s23 =	simm.s32 $0x7480;
	[dreg:$0x19] =	wrdreg s22  }
0x17: {  	s24 =	simm.s32 $0x7880;
	[dreg:$0x1a] =	wrdreg s23  }
0x18: {  	[dreg:$0x1b] =	wrdreg s24;
	s0 =	simm.s32 $0x8C80  }
0x19: {  	s6 =	simm.s32 $0x9080;
	[dreg:$0x1e] =	wrdreg s0  }
0x1a: {  	s9 =	simm.s32 $0xA480;
	[dreg:$0x1f] =	wrdreg s6  }
0x1b: {  	s10 =	simm.s32 $0xA880;
	[smem:$0x7ED] =	sst s9  }
0x1c: {  	s11 =	simm.s32 $0xB080;
	[smem:$0x7EE] =	sst s10  }
0x1d: {  	s12 =	simm.s32 $0xB480;
	[smem:$0x7EF] =	sst s11  }
0x1e: {  	s13 =	simm.s32 $0xBC80;
	[smem:$0x7F0] =	sst s12  }
0x1f: {  	s14 =	simm.s32 $0xC880;
	[smem:$0x7F1] =	sst s13  }
0x20: {  	s28 =	simm.s32 $0x17080;
	s15 =	simm.s32 $0xCC80;
	[smem:$0x7F2] =	sst s14  }
0x21: {  	s29 =	simm.s32 $0x17480;
	s16 =	simm.s32 $0xD480;
	[smem:$0x7F3] =	sst s15  }
0x22: {  	s30 =	simm.s32 $0x17C80;
	s17 =	simm.s32 $0xD880;
	[smem:$0x7F4] =	sst s16  }
0x23: {  	s31 =	simm.s32 $0x1;
	s18 =	simm.s32 $0xE080;
	[smem:$0x7F5] =	sst s17  }
0x24: {  	s2 =	ssub.s32 $0x2, s2;
	s19 =	simm.s32 $0xE480;
	[smem:$0x7F6] =	sst s18  }
0x25: {  	s20 =	sshrl.u32 s2, $0x1;
	s21 =	simm.s32 $0xEC80;
	[smem:$0x7F7] =	sst s19  }
0x26: {  	s22 =	simm.s32 $0xF080;
	s5 =	sadd.s32 $0x100, s1;
	[smem:$0x7F8] =	sst s21  }
0x27: {  	s23 =	simm.s32 $0xF880;
	s24 =	simm.s32 $0xFC80;
	[smem:$0x7F9] =	sst s22  }
0x28: {  	s7 =	sadd.s32 s8, s7;
	s8 =	simm.s32 $0x1880;
	[smem:$0x7FA] =	sst s23  }
0x29: {  	s2 =	ssub.s32 s2, s20;
	s6 =	sadd.s32 $0x100, s3;
	[smem:$0x7FB] =	sst s24  }
0x2a: {  	s9 =	simm.s32 $0x80;
	s10 =	simm.s32 $0xC080;
	s12 =	simm.s32 $0x11480  }
0x2b: {  	s13 =	simm.s32 $0x11C80;
	s14 =	simm.s32 $0x12080;
	s15 =	simm.s32 $0x12880  }
0x2c: {  	s16 =	simm.s32 $0x12C80;
	s17 =	simm.s32 $0x13480;
	s18 =	simm.s32 $0x13880  }
0x2d: {  	s19 =	simm.s32 $0x14080;
	s25 =	sadd.s32 $0x1000, s7;
	[dreg:$0xb] =	wrdreg s8  }
0x2e: {  	s20 =	simm.s32 $0x14480;
	s26 =	sadd.s32 $0x31000, s7;
	[dreg:$0x6] =	wrdreg s25  }
0x2f: {  	s21 =	simm.s32 $0x14C80;
	s7 =	simm.s32 $0x1480;
	[dreg:$0x7] =	wrdreg s26  }
0x30: {  	s22 =	simm.s32 $0x15080;
	s8 =	simm.s32 $0x9C80;
	[dreg:$0xa] =	wrdreg s7  }
0x31: {  	s23 =	simm.s32 $0x15880;
	s25 =	simm.s32 $0x8080;
	[smem:$0x7EC] =	sst s8  }
0x32: {  	s24 =	simm.s32 $0x15C80;
	s26 =	simm.s32 $0x8480;
	[dreg:$0x1c] =	wrdreg s25  }
0x33: {  	s7 =	simm.s32 $0x9880;
	s8 =	simm.s32 $0x3;
	[dreg:$0x1d] =	wrdreg s26  }
0x34: {  	v2 =	vlaneseq.u32;
	[smem:$0x7EB] =	sst s7;
	s7 =	smax.u32 s2, $0x1;
	s25 =	simm.s32 $0x10480  }
0x35: {  	vm0 =	vmmov $0xffff;
	vm1 =	vmmov $0xff;
	v1 =	vshrl.u32 v2, $0x3;
	s26 =	simm.s32 $0x10880;
	s2 =	simm.s32 $0x2;
	[smem:$0x7FC] =	sst s25  }
0x36: {  	v0 =	vand.u32 $0x7, v2;
	v2 =	vor.u32 $0x8, v2;
	v1 =	vmul.u32 $0x8, v1;
	[smem:$0x7FD] =	sst s26;
	s25 =	simm.s32 $0x16480;
	s26 =	simm.s32 $0x16880  }
.LBB2_1:
0x37: {  	s0 =	rddreg [dreg:$0x5]  }
0x38: {  	[tilespmem:s4], [sflag:$0x3] =	stream.linear.gather [hbm4b:s0+s4], $0x80, $0x38;
	[tilespmem:$0x18080] =	vst v63  }
0x39: {  	_ =	swait.ge [sflag:s8], $0x80  }
0x3a: {  	[sflag:s8] =	ssyncset.done $0x0  }
0x3b: {  	[sflag:s8] =	ssyncadd.s32 $0xFFFFFF80  }
0x3c: {  	v3 =	vld [tilespmem:$0x0];
	_ =	sdelay $0x4  }
0x3d: {  	v4 =	vshrl.u32 v3, $0x3  }
0x3e: {  	v4 =	vmul.u32 $0x18, v4  }
0x3f: {  	v3 =	vand.u32 $0x7, v3  }
0x40: {  	v3 =	vor.u32 v3, v4  }
0x41: {  	v4 =	vperm.xlane v3, v0;
	_ =	sdelay $0x1  }
0x42: {  	v4 =	vadd.s32 v1, v4;
	_ =	sdelay $0x1  }
0x43: {  	v3 =	vperm.xlane v3, v2;
	_ =	sdelay $0x1  }
0x44: {  	v3 =	vadd.s32 v1, v3  }
0x45: {  	[tilespmem:s9], [sflag:$0x1] =	stream.indirect_vreg.gather [hbm4b:s1+s4], $0x80, v4, vm0, $0xb8;
	[tilespmem:$0x18080] =	vst v63  }
0x46: {  	s0 =	rddreg [dreg:$0x8]  }
0x47: {  	[tilespmem:s0], [sflag:$0x1] =	stream.indirect_vreg.gather [hbm4b:s5+s4], $0x80, v4, vm1, $0xb8;
	[tilespmem:$0x18080] =	vst v63  }
0x48: {  	s11 =	rddreg [dreg:$0x9]  }
0x49: {  	[tilespmem:s11], [sflag:$0x1] =	stream.indirect_vreg.gather [hbm4b:s1+s4], $0x80, v3, vm0, $0xb8;
	[tilespmem:$0x18080] =	vst v63  }
0x4a: {  	s0 =	rddreg [dreg:$0xa]  }
0x4b: {  	[tilespmem:s0], [sflag:$0x1] =	stream.indirect_vreg.gather [hbm4b:s5+s4], $0x80, v3, vm1, $0xb8;
	[tilespmem:$0x18080] =	vst v63  }
0x4c: {  	v3 =	vld [tilespmem:$0x10];
	_ =	sdelay $0x4  }
0x4d: {  	v49 =	vshrl.u32 v3, $0x3  }
0x4e: {  	v4 =	vmul.u32 $0x18, v49  }
0x4f: {  	v3 =	vand.u32 $0x7, v3  }
0x50: {  	v3 =	vor.u32 v3, v4  }
0x51: {  	v4 =	vperm.xlane v3, v0;
	_ =	sdelay $0x1  }
0x52: {  	v4 =	vadd.s32 v1, v4;
	_ =	sdelay $0x1  }
0x53: {  	v3 =	vperm.xlane v3, v2;
	_ =	sdelay $0x1  }
0x54: {  	s0 =	rddreg [dreg:$0xb];
	v3 =	vadd.s32 v1, v3  }
0x55: {  	[tilespmem:s0], [sflag:$0x1] =	stream.indirect_vreg.gather [hbm4b:s1+s4], $0x80, v4, vm0, $0xb8;
	[tilespmem:$0x18080] =	vst v63  }
0x56: {  	s11 =	rddreg [dreg:$0xc]  }
0x57: {  	[tilespmem:s11], [sflag:$0x1] =	stream.indirect_vreg.gather [hbm4b:s5+s4], $0x80, v4, vm1, $0xb8;
	[tilespmem:$0x18080] =	vst v63  }
0x58: {  	s0 =	rddreg [dreg:$0xd]  }
0x59: {  	[tilespmem:s0], [sflag:$0x1] =	stream.indirect_vreg.gather [hbm4b:s1+s4], $0x80, v3, vm0, $0xb8;
	[tilespmem:$0x18080] =	vst v63  }
0x5a: {  	s11 =	rddreg [dreg:$0xe]  }
0x5b: {  	[tilespmem:s11], [sflag:$0x1] =	stream.indirect_vreg.gather [hbm4b:s5+s4], $0x80, v3, vm1, $0xb8;
	[tilespmem:$0x18080] =	vst v63  }
0x5c: {  	v3 =	vld [tilespmem:$0x20];
	_ =	sdelay $0x4  }
0x5d: {  	v50 =	vshrl.u32 v3, $0x3  }
0x5e: {  	v4 =	vmul.u32 $0x18, v50  }
0x5f: {  	v3 =	vand.u32 $0x7, v3  }
0x60: {  	v3 =	vor.u32 v3, v4  }
0x61: {  	v4 =	vperm.xlane v3, v0;
	_ =	sdelay $0x1  }
0x62: {  	v4 =	vadd.s32 v1, v4;
	_ =	sdelay $0x1  }
0x63: {  	v3 =	vperm.xlane v3, v2;
	_ =	sdelay $0x1  }
0x64: {  	s0 =	rddreg [dreg:$0xf];
	v3 =	vadd.s32 v1, v3  }
0x65: {  	[tilespmem:s0], [sflag:$0x1] =	stream.indirect_vreg.gather [hbm4b:s1+s4], $0x80, v4, vm0, $0xb8;
	[tilespmem:$0x18080] =	vst v63  }
0x66: {  	s11 =	rddreg [dreg:$0x10]  }
0x67: {  	[tilespmem:s11], [sflag:$0x1] =	stream.indirect_vreg.gather [hbm4b:s5+s4], $0x80, v4, vm1, $0xb8;
	[tilespmem:$0x18080] =	vst v63  }
0x68: {  	s0 =	rddreg [dreg:$0x11]  }
0x69: {  	[tilespmem:s0], [sflag:$0x1] =	stream.indirect_vreg.gather [hbm4b:s1+s4], $0x80, v3, vm0, $0xb8;
	[tilespmem:$0x18080] =	vst v63  }
0x6a: {  	s11 =	rddreg [dreg:$0x12]  }
0x6b: {  	[tilespmem:s11], [sflag:$0x1] =	stream.indirect_vreg.gather [hbm4b:s5+s4], $0x80, v3, vm1, $0xb8;
	[tilespmem:$0x18080] =	vst v63  }
0x6c: {  	v3 =	vld [tilespmem:$0x30];
	_ =	sdelay $0x4  }
0x6d: {  	v51 =	vshrl.u32 v3, $0x3  }
0x6e: {  	v4 =	vmul.u32 $0x18, v51  }
0x6f: {  	v3 =	vand.u32 $0x7, v3  }
0x70: {  	v3 =	vor.u32 v3, v4  }
0x71: {  	v4 =	vperm.xlane v3, v0;
	_ =	sdelay $0x1  }
0x72: {  	v4 =	vadd.s32 v1, v4;
	_ =	sdelay $0x1  }
0x73: {  	v3 =	vperm.xlane v3, v2;
	_ =	sdelay $0x1  }
0x74: {  	s0 =	rddreg [dreg:$0x13];
	v3 =	vadd.s32 v1, v3  }
0x75: {  	[tilespmem:s0], [sflag:$0x1] =	stream.indirect_vreg.gather [hbm4b:s1+s4], $0x80, v4, vm0, $0xb8;
	[tilespmem:$0x18080] =	vst v63  }
0x76: {  	s11 =	rddreg [dreg:$0x14]  }
0x77: {  	[tilespmem:s11], [sflag:$0x1] =	stream.indirect_vreg.gather [hbm4b:s5+s4], $0x80, v4, vm1, $0xb8;
	[tilespmem:$0x18080] =	vst v63  }
0x78: {  	s0 =	rddreg [dreg:$0x15]  }
0x79: {  	[tilespmem:s0], [sflag:$0x1] =	stream.indirect_vreg.gather [hbm4b:s1+s4], $0x80, v3, vm0, $0xb8;
	[tilespmem:$0x18080] =	vst v63  }
0x7a: {  	s11 =	rddreg [dreg:$0x16]  }
0x7b: {  	[tilespmem:s11], [sflag:$0x1] =	stream.indirect_vreg.gather [hbm4b:s5+s4], $0x80, v3, vm1, $0xb8;
	[tilespmem:$0x18080] =	vst v63  }
0x7c: {  	v3 =	vld [tilespmem:$0x40];
	_ =	sdelay $0x4  }
0x7d: {  	v52 =	vshrl.u32 v3, $0x3  }
0x7e: {  	v4 =	vmul.u32 $0x18, v52  }
0x7f: {  	v3 =	vand.u32 $0x7, v3  }
0x80: {  	v3 =	vor.u32 v3, v4  }
0x81: {  	v4 =	vperm.xlane v3, v0;
	_ =	sdelay $0x1  }
0x82: {  	v4 =	vadd.s32 v1, v4;
	_ =	sdelay $0x1  }
0x83: {  	v3 =	vperm.xlane v3, v2;
	_ =	sdelay $0x1  }
0x84: {  	s0 =	rddreg [dreg:$0x17];
	v3 =	vadd.s32 v1, v3  }
0x85: {  	[tilespmem:s0], [sflag:$0x1] =	stream.indirect_vreg.gather [hbm4b:s1+s4], $0x80, v4, vm0, $0xb8;
	[tilespmem:$0x18080] =	vst v63  }
0x86: {  	s11 =	rddreg [dreg:$0x18]  }
0x87: {  	[tilespmem:s11], [sflag:$0x1] =	stream.indirect_vreg.gather [hbm4b:s5+s4], $0x80, v4, vm1, $0xb8;
	[tilespmem:$0x18080] =	vst v63  }
0x88: {  	s0 =	rddreg [dreg:$0x19]  }
0x89: {  	[tilespmem:s0], [sflag:$0x1] =	stream.indirect_vreg.gather [hbm4b:s1+s4], $0x80, v3, vm0, $0xb8;
	[tilespmem:$0x18080] =	vst v63  }
0x8a: {  	s11 =	rddreg [dreg:$0x1a]  }
0x8b: {  	[tilespmem:s11], [sflag:$0x1] =	stream.indirect_vreg.gather [hbm4b:s5+s4], $0x80, v3, vm1, $0xb8;
	[tilespmem:$0x18080] =	vst v63  }
0x8c: {  	v3 =	vld [tilespmem:$0x50];
	_ =	sdelay $0x4  }
0x8d: {  	v53 =	vshrl.u32 v3, $0x3  }
0x8e: {  	v4 =	vmul.u32 $0x18, v53  }
0x8f: {  	v3 =	vand.u32 $0x7, v3  }
0x90: {  	v3 =	vor.u32 v3, v4  }
0x91: {  	v4 =	vperm.xlane v3, v0;
	_ =	sdelay $0x1  }
0x92: {  	v4 =	vadd.s32 v1, v4;
	_ =	sdelay $0x1  }
0x93: {  	v3 =	vperm.xlane v3, v2;
	_ =	sdelay $0x1  }
0x94: {  	s0 =	rddreg [dreg:$0x1b];
	v3 =	vadd.s32 v1, v3  }
0x95: {  	[tilespmem:s0], [sflag:$0x1] =	stream.indirect_vreg.gather [hbm4b:s1+s4], $0x80, v4, vm0, $0xb8;
	[tilespmem:$0x18080] =	vst v63  }
0x96: {  	s11 =	rddreg [dreg:$0x1c]  }
0x97: {  	[tilespmem:s11], [sflag:$0x1] =	stream.indirect_vreg.gather [hbm4b:s5+s4], $0x80, v4, vm1, $0xb8;
	[tilespmem:$0x18080] =	vst v63  }
0x98: {  	s0 =	rddreg [dreg:$0x1d]  }
0x99: {  	[tilespmem:s0], [sflag:$0x1] =	stream.indirect_vreg.gather [hbm4b:s1+s4], $0x80, v3, vm0, $0xb8;
	[tilespmem:$0x18080] =	vst v63  }
0x9a: {  	s11 =	rddreg [dreg:$0x1e]  }
0x9b: {  	[tilespmem:s11], [sflag:$0x1] =	stream.indirect_vreg.gather [hbm4b:s5+s4], $0x80, v3, vm1, $0xb8;
	[tilespmem:$0x18080] =	vst v63  }
0x9c: {  	v3 =	vld [tilespmem:$0x60];
	_ =	sdelay $0x4  }
0x9d: {  	v54 =	vshrl.u32 v3, $0x3  }
0x9e: {  	v4 =	vmul.u32 $0x18, v54  }
0x9f: {  	v3 =	vand.u32 $0x7, v3  }
0xa0: {  	v3 =	vor.u32 v3, v4  }
0xa1: {  	v4 =	vperm.xlane v3, v0;
	_ =	sdelay $0x1  }
0xa2: {  	v4 =	vadd.s32 v1, v4;
	_ =	sdelay $0x1  }
0xa3: {  	v3 =	vperm.xlane v3, v2  }
0xa4: {  	s0 =	rddreg [dreg:$0x1f]  }
0xa5: {  	s11 =	sld [smem:$0x7EB];
	v3 =	vadd.s32 v1, v3  }
0xa6: {  	[tilespmem:s0], [sflag:$0x1] =	stream.indirect_vreg.gather [hbm4b:s1+s4], $0x80, v4, vm0, $0xb8;
	[tilespmem:$0x18080] =	vst v63  }
0xa7: {  	s0 =	sld [smem:$0x7EC]  }
0xa8: {  	[tilespmem:s11], [sflag:$0x1] =	stream.indirect_vreg.gather [hbm4b:s5+s4], $0x80, v4, vm1, $0xb8;
	[tilespmem:$0x18080] =	vst v63  }
0xa9: {  	s11 =	sld [smem:$0x7ED]  }
0xaa: {  	[tilespmem:s0], [sflag:$0x1] =	stream.indirect_vreg.gather [hbm4b:s1+s4], $0x80, v3, vm0, $0xb8;
	[tilespmem:$0x18080] =	vst v63  }
0xab: {  	_ = 	snop  }
0xac: {  	[tilespmem:s11], [sflag:$0x1] =	stream.indirect_vreg.gather [hbm4b:s5+s4], $0x80, v3, vm1, $0xb8;
	[tilespmem:$0x18080] =	vst v63  }
0xad: {  	v3 =	vld [tilespmem:$0x70];
	_ =	sdelay $0x4  }
0xae: {  	v55 =	vshrl.u32 v3, $0x3  }
0xaf: {  	v4 =	vmul.u32 $0x18, v55  }
0xb0: {  	v3 =	vand.u32 $0x7, v3  }
0xb1: {  	v3 =	vor.u32 v3, v4  }
0xb2: {  	v4 =	vperm.xlane v3, v0;
	_ =	sdelay $0x1  }
0xb3: {  	v4 =	vadd.s32 v1, v4;
	_ =	sdelay $0x1  }
0xb4: {  	s0 =	sld [smem:$0x7EE];
	v3 =	vperm.xlane v3, v2;
	_ =	sdelay $0x1  }
0xb5: {  	s11 =	sld [smem:$0x7EF];
	v3 =	vadd.s32 v1, v3  }
0xb6: {  	[tilespmem:s0], [sflag:$0x1] =	stream.indirect_vreg.gather [hbm4b:s1+s4], $0x80, v4, vm0, $0xb8;
	[tilespmem:$0x18080] =	vst v63  }
0xb7: {  	s0 =	sld [smem:$0x7F0]  }
0xb8: {  	[tilespmem:s11], [sflag:$0x1] =	stream.indirect_vreg.gather [hbm4b:s5+s4], $0x80, v4, vm1, $0xb8;
	[tilespmem:$0x18080] =	vst v63  }
0xb9: {  	s11 =	sld [smem:$0x7F1]  }
0xba: {  	[tilespmem:s0], [sflag:$0x1] =	stream.indirect_vreg.gather [hbm4b:s1+s4], $0x80, v3, vm0, $0xb8;
	[tilespmem:$0x18080] =	vst v63  }
0xbb: {  	_ = 	snop  }
0xbc: {  	[tilespmem:s11], [sflag:$0x1] =	stream.indirect_vreg.gather [hbm4b:s5+s4], $0x80, v3, vm1, $0xb8;
	[tilespmem:$0x18080] =	vst v63  }
0xbd: {  	v3 =	vld [tilespmem:$0x0];
	_ =	sdelay $0x4  }
0xbe: {  	v56 =	vshrl.u32 v3, $0x3  }
0xbf: {  	v4 =	vmul.u32 $0x18, v56  }
0xc0: {  	v3 =	vand.u32 $0x7, v3  }
0xc1: {  	v3 =	vor.u32 v3, v4  }
0xc2: {  	v4 =	vperm.xlane v3, v0;
	_ =	sdelay $0x1  }
0xc3: {  	v4 =	vadd.s32 v1, v4;
	_ =	sdelay $0x1  }
0xc4: {  	v3 =	vperm.xlane v3, v2;
	_ =	sdelay $0x1  }
0xc5: {  	s0 =	sld [smem:$0x7F2];
	v3 =	vadd.s32 v1, v3  }
0xc6: {  	[tilespmem:s10], [sflag:$0x2] =	stream.indirect_vreg.gather [hbm4b:s3+s4], $0x80, v4, vm0, $0xb8;
	[tilespmem:$0x18080] =	vst v63  }
0xc7: {  	s11 =	sld [smem:$0x7F3]  }
0xc8: {  	[tilespmem:s0], [sflag:$0x2] =	stream.indirect_vreg.gather [hbm4b:s6+s4], $0x80, v4, vm1, $0xb8;
	[tilespmem:$0x18080] =	vst v63  }
0xc9: {  	s0 =	sld [smem:$0x7F4]  }
0xca: {  	[tilespmem:s11], [sflag:$0x2] =	stream.indirect_vreg.gather [hbm4b:s3+s4], $0x80, v3, vm0, $0xb8;
	[tilespmem:$0x18080] =	vst v63  }
0xcb: {  	_ = 	snop  }
0xcc: {  	[tilespmem:s0], [sflag:$0x2] =	stream.indirect_vreg.gather [hbm4b:s6+s4], $0x80, v3, vm1, $0xb8;
	[tilespmem:$0x18080] =	vst v63  }
0xcd: {  	v3 =	vld [tilespmem:$0x10];
	_ =	sdelay $0x4  }
0xce: {  	v57 =	vshrl.u32 v3, $0x3  }
0xcf: {  	v4 =	vmul.u32 $0x18, v57  }
0xd0: {  	v3 =	vand.u32 $0x7, v3  }
0xd1: {  	v3 =	vor.u32 v3, v4  }
0xd2: {  	v4 =	vperm.xlane v3, v0;
	_ =	sdelay $0x1  }
0xd3: {  	v4 =	vadd.s32 v1, v4;
	_ =	sdelay $0x1  }
0xd4: {  	s0 =	sld [smem:$0x7F5];
	v3 =	vperm.xlane v3, v2;
	_ =	sdelay $0x1  }
0xd5: {  	s11 =	sld [smem:$0x7F6];
	v3 =	vadd.s32 v1, v3  }
0xd6: {  	[tilespmem:s0], [sflag:$0x2] =	stream.indirect_vreg.gather [hbm4b:s3+s4], $0x80, v4, vm0, $0xb8;
	[tilespmem:$0x18080] =	vst v63  }
0xd7: {  	s0 =	sld [smem:$0x7F7]  }
0xd8: {  	[tilespmem:s11], [sflag:$0x2] =	stream.indirect_vreg.gather [hbm4b:s6+s4], $0x80, v4, vm1, $0xb8;
	[tilespmem:$0x18080] =	vst v63  }
0xd9: {  	s11 =	sld [smem:$0x7F8]  }
0xda: {  	[tilespmem:s0], [sflag:$0x2] =	stream.indirect_vreg.gather [hbm4b:s3+s4], $0x80, v3, vm0, $0xb8;
	[tilespmem:$0x18080] =	vst v63  }
0xdb: {  	_ = 	snop  }
0xdc: {  	[tilespmem:s11], [sflag:$0x2] =	stream.indirect_vreg.gather [hbm4b:s6+s4], $0x80, v3, vm1, $0xb8;
	[tilespmem:$0x18080] =	vst v63  }
0xdd: {  	v3 =	vld [tilespmem:$0x20];
	_ =	sdelay $0x4  }
0xde: {  	v58 =	vshrl.u32 v3, $0x3  }
0xdf: {  	v4 =	vmul.u32 $0x18, v58  }
0xe0: {  	v3 =	vand.u32 $0x7, v3  }
0xe1: {  	v3 =	vor.u32 v3, v4  }
0xe2: {  	v4 =	vperm.xlane v3, v0;
	_ =	sdelay $0x1  }
0xe3: {  	v4 =	vadd.s32 v1, v4;
	_ =	sdelay $0x1  }
0xe4: {  	s0 =	sld [smem:$0x7F9];
	v3 =	vperm.xlane v3, v2;
	_ =	sdelay $0x1  }
0xe5: {  	s11 =	sld [smem:$0x7FA];
	v3 =	vadd.s32 v1, v3  }
0xe6: {  	[tilespmem:s0], [sflag:$0x2] =	stream.indirect_vreg.gather [hbm4b:s3+s4], $0x80, v4, vm0, $0xb8;
	[tilespmem:$0x18080] =	vst v63  }
0xe7: {  	s0 =	sld [smem:$0x7FB]  }
0xe8: {  	[tilespmem:s11], [sflag:$0x2] =	stream.indirect_vreg.gather [hbm4b:s6+s4], $0x80, v4, vm1, $0xb8;
	[tilespmem:$0x18080] =	vst v63  }
0xe9: {  	s11 =	sld [smem:$0x7FC]  }
0xea: {  	[tilespmem:s0], [sflag:$0x2] =	stream.indirect_vreg.gather [hbm4b:s3+s4], $0x80, v3, vm0, $0xb8;
	[tilespmem:$0x18080] =	vst v63  }
0xeb: {  	_ = 	snop  }
0xec: {  	[tilespmem:s11], [sflag:$0x2] =	stream.indirect_vreg.gather [hbm4b:s6+s4], $0x80, v3, vm1, $0xb8;
	[tilespmem:$0x18080] =	vst v63  }
0xed: {  	v3 =	vld [tilespmem:$0x30];
	_ =	sdelay $0x4  }
0xee: {  	v59 =	vshrl.u32 v3, $0x3  }
0xef: {  	v4 =	vmul.u32 $0x18, v59  }
0xf0: {  	v3 =	vand.u32 $0x7, v3  }
0xf1: {  	v3 =	vor.u32 v3, v4  }
0xf2: {  	v4 =	vperm.xlane v3, v0;
	_ =	sdelay $0x1  }
0xf3: {  	v4 =	vadd.s32 v1, v4;
	_ =	sdelay $0x1  }
0xf4: {  	s11 =	sld [smem:$0x7FD];
	v3 =	vperm.xlane v3, v2;
	_ =	sdelay $0x1  }
0xf5: {  	v3 =	vadd.s32 v1, v3  }
0xf6: {  	[tilespmem:s11], [sflag:$0x2] =	stream.indirect_vreg.gather [hbm4b:s3+s4], $0x80, v4, vm0, $0xb8;
	[tilespmem:$0x18080] =	vst v63  }
0xf7: {  	s11 =	simm.s32 $0x11080  }
0xf8: {  	[tilespmem:s11], [sflag:$0x2] =	stream.indirect_vreg.gather [hbm4b:s6+s4], $0x80, v4, vm1, $0xb8;
	[tilespmem:$0x18080] =	vst v63  }
0xf9: {  	_ = 	snop  }
0xfa: {  	[tilespmem:s12], [sflag:$0x2] =	stream.indirect_vreg.gather [hbm4b:s3+s4], $0x80, v3, vm0, $0xb8;
	[tilespmem:$0x18080] =	vst v63  }
0xfb: {  	_ = 	snop  }
0xfc: {  	[tilespmem:s13], [sflag:$0x2] =	stream.indirect_vreg.gather [hbm4b:s6+s4], $0x80, v3, vm1, $0xb8;
	[tilespmem:$0x18080] =	vst v63  }
0xfd: {  	v3 =	vld [tilespmem:$0x40];
	_ =	sdelay $0x4  }
0xfe: {  	v60 =	vshrl.u32 v3, $0x3  }
0xff: {  	v4 =	vmul.u32 $0x18, v60  }
0x100: {  	v3 =	vand.u32 $0x7, v3  }
0x101: {  	v3 =	vor.u32 v3, v4  }
0x102: {  	v4 =	vperm.xlane v3, v0;
	_ =	sdelay $0x1  }
0x103: {  	v4 =	vadd.s32 v1, v4;
	_ =	sdelay $0x1  }
0x104: {  	v3 =	vperm.xlane v3, v2;
	_ =	sdelay $0x1  }
0x105: {  	v3 =	vadd.s32 v1, v3  }
0x106: {  	[tilespmem:s14], [sflag:$0x2] =	stream.indirect_vreg.gather [hbm4b:s3+s4], $0x80, v4, vm0, $0xb8;
	[tilespmem:$0x18080] =	vst v63  }
0x107: {  	_ = 	snop  }
0x108: {  	[tilespmem:s15], [sflag:$0x2] =	stream.indirect_vreg.gather [hbm4b:s6+s4], $0x80, v4, vm1, $0xb8;
	[tilespmem:$0x18080] =	vst v63  }
0x109: {  	_ = 	snop  }
0x10a: {  	[tilespmem:s16], [sflag:$0x2] =	stream.indirect_vreg.gather [hbm4b:s3+s4], $0x80, v3, vm0, $0xb8;
	[tilespmem:$0x18080] =	vst v63  }
0x10b: {  	_ = 	snop  }
0x10c: {  	[tilespmem:s17], [sflag:$0x2] =	stream.indirect_vreg.gather [hbm4b:s6+s4], $0x80, v3, vm1, $0xb8;
	[tilespmem:$0x18080] =	vst v63  }
0x10d: {  	v3 =	vld [tilespmem:$0x50];
	_ =	sdelay $0x4  }
0x10e: {  	v61 =	vshrl.u32 v3, $0x3  }
0x10f: {  	v4 =	vmul.u32 $0x18, v61  }
0x110: {  	v3 =	vand.u32 $0x7, v3  }
0x111: {  	v3 =	vor.u32 v3, v4  }
0x112: {  	v4 =	vperm.xlane v3, v0;
	_ =	sdelay $0x1  }
0x113: {  	v4 =	vadd.s32 v1, v4;
	_ =	sdelay $0x1  }
0x114: {  	v3 =	vperm.xlane v3, v2;
	_ =	sdelay $0x1  }
0x115: {  	v3 =	vadd.s32 v1, v3  }
0x116: {  	[tilespmem:s18], [sflag:$0x2] =	stream.indirect_vreg.gather [hbm4b:s3+s4], $0x80, v4, vm0, $0xb8;
	[tilespmem:$0x18080] =	vst v63  }
0x117: {  	_ = 	snop  }
0x118: {  	[tilespmem:s19], [sflag:$0x2] =	stream.indirect_vreg.gather [hbm4b:s6+s4], $0x80, v4, vm1, $0xb8;
	[tilespmem:$0x18080] =	vst v63  }
0x119: {  	_ = 	snop  }
0x11a: {  	[tilespmem:s20], [sflag:$0x2] =	stream.indirect_vreg.gather [hbm4b:s3+s4], $0x80, v3, vm0, $0xb8;
	[tilespmem:$0x18080] =	vst v63  }
0x11b: {  	_ = 	snop  }
0x11c: {  	[tilespmem:s21], [sflag:$0x2] =	stream.indirect_vreg.gather [hbm4b:s6+s4], $0x80, v3, vm1, $0xb8;
	[tilespmem:$0x18080] =	vst v63  }
0x11d: {  	v3 =	vld [tilespmem:$0x60];
	_ =	sdelay $0x4  }
0x11e: {  	v62 =	vshrl.u32 v3, $0x3  }
0x11f: {  	v4 =	vmul.u32 $0x18, v62  }
0x120: {  	v3 =	vand.u32 $0x7, v3  }
0x121: {  	v3 =	vor.u32 v3, v4  }
0x122: {  	v4 =	vperm.xlane v3, v0;
	_ =	sdelay $0x1  }
0x123: {  	v4 =	vadd.s32 v1, v4;
	_ =	sdelay $0x1  }
0x124: {  	v3 =	vperm.xlane v3, v2;
	_ =	sdelay $0x1  }
0x125: {  	v3 =	vadd.s32 v1, v3  }
0x126: {  	[tilespmem:s22], [sflag:$0x2] =	stream.indirect_vreg.gather [hbm4b:s3+s4], $0x80, v4, vm0, $0xb8;
	[tilespmem:$0x18080] =	vst v63  }
0x127: {  	_ = 	snop  }
0x128: {  	[tilespmem:s23], [sflag:$0x2] =	stream.indirect_vreg.gather [hbm4b:s6+s4], $0x80, v4, vm1, $0xb8;
	[tilespmem:$0x18080] =	vst v63  }
0x129: {  	_ = 	snop  }
0x12a: {  	[tilespmem:s24], [sflag:$0x2] =	stream.indirect_vreg.gather [hbm4b:s3+s4], $0x80, v3, vm0, $0xb8;
	[tilespmem:$0x18080] =	vst v63  }
0x12b: {  	_ = 	snop  }
0x12c: {  	[tilespmem:s25], [sflag:$0x2] =	stream.indirect_vreg.gather [hbm4b:s6+s4], $0x80, v3, vm1, $0xb8;
	[tilespmem:$0x18080] =	vst v63  }
0x12d: {  	v3 =	vld [tilespmem:$0x70];
	_ =	sdelay $0x4  }
0x12e: {  	v63 =	vshrl.u32 v3, $0x3  }
0x12f: {  	v4 =	vmul.u32 $0x18, v63  }
0x130: {  	v3 =	vand.u32 $0x7, v3  }
0x131: {  	v3 =	vor.u32 v3, v4  }
0x132: {  	v4 =	vperm.xlane v3, v0;
	_ =	sdelay $0x1  }
0x133: {  	v4 =	vadd.s32 v1, v4;
	_ =	sdelay $0x1  }
0x134: {  	v3 =	vperm.xlane v3, v2;
	_ =	sdelay $0x1  }
0x135: {  	v3 =	vadd.s32 v1, v3  }
0x136: {  	[tilespmem:s26], [sflag:$0x2] =	stream.indirect_vreg.gather [hbm4b:s3+s4], $0x80, v4, vm0, $0xb8;
	[tilespmem:$0x18080] =	vst v63  }
0x137: {  	_ = 	snop  }
0x138: {  	[tilespmem:s28], [sflag:$0x2] =	stream.indirect_vreg.gather [hbm4b:s6+s4], $0x80, v4, vm1, $0xb8;
	[tilespmem:$0x18080] =	vst v63  }
0x139: {  	_ = 	snop  }
0x13a: {  	[tilespmem:s29], [sflag:$0x2] =	stream.indirect_vreg.gather [hbm4b:s3+s4], $0x80, v3, vm0, $0xb8;
	[tilespmem:$0x18080] =	vst v63  }
0x13b: {  	_ = 	snop  }
0x13c: {  	[tilespmem:s30], [sflag:$0x2] =	stream.indirect_vreg.gather [hbm4b:s6+s4], $0x80, v3, vm1, $0xb8;
	[tilespmem:$0x18080] =	vst v63  }
0x13d: {  	_ =	swait.ge [sflag:s31], $0xC000  }
0x13e: {  	[sflag:s31] =	ssyncset.done $0x0  }
0x13f: {  	s11 =	rddreg [dreg:$0x6];
	[sflag:s31] =	ssyncadd.s32 $0xFFFF4000  }
0x140: {  	[hbm4b:s11+s4] =	stream.linear.scatter [tilespmem:s9], [sflag:$0x3], $0xC000, $0x38;
	[tilespmem:$0x18080] =	vst v63  }
0x141: {  	_ =	swait.ge [sflag:s8], $0xC000  }
0x142: {  	[sflag:s8] =	ssyncset.done $0x0  }
0x143: {  	[sflag:s8] =	ssyncadd.s32 $0xFFFF4000  }
0x144: {  	_ =	swait.ge [sflag:s2], $0xC000  }
0x145: {  	p0 =	sne.s32 s7, $0x1;
	[sflag:s2] =	ssyncset.done $0x0  }
.Ltmp0:
0x146: {  	s11 =	rddreg [dreg:$0x7];
	[sflag:s2] =	ssyncadd.s32 $0xFFFF4000;
	(pc) =	sbr.rel @p0 .LBB2_1-.Ltmp0, $4  }
0x147: {  	[hbm4b:s11+s4] =	stream.linear.scatter [tilespmem:s10], [sflag:$0x3], $0xC000, $0x38;
	[tilespmem:$0x18080] =	vst v63  }
0x148: {  	_ =	swait.ge [sflag:s8], $0xC000  }
0x149: {  	[sflag:s8] =	ssyncset.done $0x0  }
0x14a: {  	s7 =	sadd.s32 $0xFFFFFFFF, s7;
	[sflag:s8] =	ssyncadd.s32 $0xFFFF4000  }
0x14b: {  	_ =	sfence.sel $0x180000  }
0x14c: {  	[bflag:$0x0] =	sbarrier.arrive $0xFFFF  }
0x14d: {  	_ =	strace $0x90000047  }
0x14e: {  	s0 =	stileid.u32;
	[bflag:$0x2] =	sbarrier.arrive $0xFFFF  }
0x14f: {  	p0 =	sne.s32 s0, $0x0;
	s0 =	rddreg [dreg:$0x4]  }
0x150: {  	s0 =	sadd.s32 @!p0 $0x100000, s0  }
0x151: {  	[sflag:s0] =	ssyncadd.tile.s32 @!p0 $0x1;
	_ =	shalt  }
.Lfunc_end2:
_tile_overlayer_lowered:
.L_overlay_start_2:
0x152: {  	(tag) =	ssettag $0x2  }
0x153: {  	s0 =	rddreg [dreg:$0x0];
	s2 =	stileid.u32  }
0x154: {  	s1 =	rddreg [dreg:$0x1];
	p0 =	sne.s32 s2, $0x0  }
0x155: {  	s3 =	rddreg [dreg:$0x2];
	[bflag:$0x3] =	sbarrier.arrive $0xFFFF;
	s2 =	simm.s32 @!p0 $0x1C03  }
0x156: {  	[timem:s3], [sflag:s2] =	dma.local @!p0 [hbm:s0], s1  }
0x157: {  	s0 =	simm.s32 @!p0 $0x3  }
0x158: {  	_ =	swait.ge @!p0 [sflag:s0], s1  }
0x159: {  	s1 =	ssub.s32 @!p0 $0x0, s1;
	[sflag:s0] =	ssyncset.done @!p0 $0x0  }
0x15a: {  	[sflag:s0] =	ssyncadd.s32 @!p0 s1  }
0x15b: {  	[bflag:$0x3] =	sbarrier.arrive $0xFFFF  }
0x15c: {  	_ =	shalt  }

</sc_bundles>
